<compile_context>
chip_gen: v7x
topology: tpu7x:2x2x1
jax: 0.10.2.dev20260603
libtpu: 0.0.44.dev20260713+nightly
codegen_flags: <defaults>
</compile_context>

<pallas_src>
import functools

import jax
import jax.numpy as jnp
from jax import lax
from jax.experimental import pallas as pl
from jax.experimental.pallas import tpu as pltpu
from jax.experimental.pallas import tpu_sc as plsc

f32 = jnp.float32
i32 = jnp.int32


def _sc_info():
    try:
        info = plsc.get_sparse_core_info()
        return info.num_cores, info.num_subcores
    except Exception:
        return 2, 16


def _sc_gather_bias(bs, bo, u_idx, v_idx):
    B = u_idx.shape[0]
    NC, NS = _sc_info()
    NW = NC * NS
    bpw = B // NW
    mesh = plsc.VectorSubcoreMesh(core_axis_name="c", subcore_axis_name="s")

    @functools.partial(
        pl.kernel,
        mesh=mesh,
        compiler_params=pltpu.CompilerParams(use_tc_tiling_on_sc=False),
        out_type=(
            jax.ShapeDtypeStruct((B,), f32),
            jax.ShapeDtypeStruct((B,), f32),
        ),
        scratch_types=[
            pltpu.VMEM((bpw,), i32),
            pltpu.VMEM((bpw,), i32),
            pltpu.VMEM((bpw,), f32),
            pltpu.VMEM((bpw,), f32),
            pltpu.SemaphoreType.DMA,
        ],
    )
    def ka(bs_h, bo_h, ui_h, vi_h, bsu_o, bov_o,
           ui_v, vi_v, bsu_v, bov_v, sem):
        wid = lax.axis_index("s") * NC + lax.axis_index("c")
        base = wid * bpw
        pltpu.sync_copy(ui_h.at[pl.ds(base, bpw)], ui_v)
        pltpu.sync_copy(vi_h.at[pl.ds(base, bpw)], vi_v)
        copies = [
            pltpu.async_copy(bs_h.at[ui_v], bsu_v, sem),
            pltpu.async_copy(bo_h.at[vi_v], bov_v, sem),
        ]
        for c in copies:
            c.wait()
        pltpu.sync_copy(bsu_v, bsu_o.at[pl.ds(base, bpw)])
        pltpu.sync_copy(bov_v, bov_o.at[pl.ds(base, bpw)])

    return ka(bs, bo, u_idx, v_idx)


def _norm0(x):
    return jnp.sqrt(jnp.sum(x * x, axis=0, keepdims=True))


def _proj0(x):
    n = _norm0(x)
    return jnp.where(n >= 1.0, x / (n - 1e-5), x)


def _artanh(x):
    return 0.5 * jnp.log((1.0 + x) / (1.0 - x))


def _p_sum0(x, y):
    sqx = jnp.clip(jnp.sum(x * x, axis=0, keepdims=True), 0.0, 1.0 - 1e-5)
    sqy = jnp.clip(jnp.sum(y * y, axis=0, keepdims=True), 0.0, 1.0 - 1e-5)
    dxy = jnp.sum(x * y, axis=0, keepdims=True)
    num = (1.0 + 2.0 * dxy + sqy) * x + (1.0 - sqx) * y
    den = 1.0 + 2.0 * dxy + sqx * sqy
    return num / den


def _sel_t(tabT_ref, r):
    nrel = tabT_ref.shape[1]
    onehot = jnp.equal(
        lax.broadcasted_iota(i32, (nrel, 1), 0), r[None, :]
    ).astype(f32)
    return jnp.dot(tabT_ref[...], onehot, preferred_element_type=f32)


def _math_u_body(uT_ref, WuT_ref, r_ref, o_ref):
    u = _proj0(uT_ref[...])
    RuT = _sel_t(WuT_ref, r_ref[...])
    nu = jnp.clip(_norm0(u), 1e-10, 1.0 - 1e-5)
    u_e = _artanh(nu) * u / nu
    u_W = u_e * RuT
    nw = jnp.clip(_norm0(u_W), 1e-10, None)
    u_m = jnp.tanh(nw) * u_W / nw
    o_ref[...] = _proj0(u_m)


def _math_v_body(um_ref, vT_ref, rvhT_ref, r_ref, o_ref):
    v = _proj0(vT_ref[...])
    rvh_e = _proj0(_sel_t(rvhT_ref, r_ref[...]))
    v_m = _proj0(_p_sum0(v, rvh_e))
    d = _p_sum0(-um_ref[...], v_m)
    nd = jnp.clip(_norm0(d), 1e-10, 1.0 - 1e-5)
    sq = (2.0 * _artanh(nd)) ** 2
    o_ref[...] = -lax.squeeze(sq, (0,))


def _tc_math(uT, vT, WuT, rvhT, r_idx, interpret=False):
    D, B = uT.shape
    nrel = WuT.shape[1]
    BLK = 2048
    spec_t = pl.BlockSpec((D, BLK), lambda i: (0, i))
    spec_w = pl.BlockSpec((D, nrel), lambda i: (0, 0))
    spec_1 = pl.BlockSpec((BLK,), lambda i: (i,))
    u_m = pl.pallas_call(
        _math_u_body,
        grid=(B // BLK,),
        in_specs=[spec_t, spec_w, spec_1],
        out_specs=spec_t,
        out_shape=jax.ShapeDtypeStruct((D, B), f32),
        interpret=interpret,
    )(uT, WuT, r_idx)
    out = pl.pallas_call(
        _math_v_body,
        grid=(B // BLK,),
        in_specs=[spec_t, spec_t, spec_w, spec_1],
        out_specs=spec_1,
        out_shape=jax.ShapeDtypeStruct((B,), f32),
        interpret=interpret,
    )(u_m, vT, rvhT, r_idx)
    return out


def kernel(Eh, rvh, Wu, bs, bo, u_idx, r_idx, v_idx):
    u_idx = u_idx.astype(i32)
    r_idx = r_idx.astype(i32)
    v_idx = v_idx.astype(i32)
    bsu, bov = _sc_gather_bias(bs, bo, u_idx, v_idx)
    uT = jnp.take(Eh, u_idx, axis=0).T
    vT = jnp.take(Eh, v_idx, axis=0).T
    neg_sq = _tc_math(uT, vT, Wu.T, rvh.T, r_idx)
    return neg_sq + bsu + bov

# --- scband reference (transcript-rebuilt; emitter-appended) ---
"""Pipeline reference for scband-mu-rp-3135326126372 (READ-ONLY COPY).

The authoritative reference and input builder live on the scoring server;
editing this copy changes nothing except your own understanding.
"""

import jax, jax.numpy as jnp
import numpy as np

N_ENT = 1000000
N_REL = 200
DIM = 32
BATCH = 16384


def artanh(x):
    return 0.5 * jnp.log((1 + x) / (1 - x))


def p_exp_map(v):
    normv = jnp.clip(jnp.linalg.norm(v, ord=2, axis=-1, keepdims=True), 1e-10, None)
    return jnp.tanh(normv) * v / normv


def p_log_map(v):
    normv = jnp.clip(jnp.linalg.norm(v, ord=2, axis=-1, keepdims=True), 1e-10, 1 - 1e-5)
    return artanh(normv) * v / normv


def p_sum(x, y):
    sqxnorm = jnp.clip(jnp.sum(x * x, axis=-1, keepdims=True), 0.0, 1 - 1e-5)
    sqynorm = jnp.clip(jnp.sum(y * y, axis=-1, keepdims=True), 0.0, 1 - 1e-5)
    dotxy = jnp.sum(x * y, axis=-1, keepdims=True)
    num = (1 + 2 * dotxy + sqynorm) * x + (1 - sqxnorm) * y
    den = 1 + 2 * dotxy + sqxnorm * sqynorm
    return num / den


def _proj(x):
    n = jnp.linalg.norm(x, ord=2, axis=-1, keepdims=True)
    return jnp.where(n >= 1, x / (n - 1e-5), x)


def setup_inputs(seed: int = 0):
    key = jax.random.key(seed)
    ks = [jax.random.fold_in(key, i) for i in range(6)]
    return {
        "Eh": 0.001 * jax.random.normal(ks[0], (N_ENT, DIM), dtype=jnp.float32),
        "rvh": 0.001 * jax.random.normal(ks[1], (N_REL, DIM), dtype=jnp.float32),
        "Wu": jax.random.uniform(ks[2], (N_REL, DIM), dtype=jnp.float32, minval=-1.0, maxval=1.0),
        "bs": jnp.zeros((N_ENT,), dtype=jnp.float32),
        "bo": jnp.zeros((N_ENT,), dtype=jnp.float32),
        "u_idx": jax.random.randint(ks[3], (BATCH,), 0, N_ENT),
        "r_idx": jax.random.randint(ks[4], (BATCH,), 0, N_REL),
        "v_idx": jax.random.randint(ks[5], (BATCH,), 0, N_ENT),
    }


def reference(Eh, rvh, Wu, bs, bo, u_idx, r_idx, v_idx):
    u = jnp.take(Eh, u_idx, axis=0)
    v = jnp.take(Eh, v_idx, axis=0)
    Ru = jnp.take(Wu, r_idx, axis=0)
    rvh_e = jnp.take(rvh, r_idx, axis=0)
    u = _proj(u)
    v = _proj(v)
    rvh_e = _proj(rvh_e)
    u_e = p_log_map(u)
    u_W = u_e * Ru
    u_m = p_exp_map(u_W)
    v_m = p_sum(v, rvh_e)
    u_m = _proj(u_m)
    v_m = _proj(v_m)
    sqdist = (2.0 * artanh(jnp.clip(jnp.linalg.norm(p_sum(-u_m, v_m), ord=2, axis=-1), 1e-10, 1 - 1e-5))) ** 2
    return -sqdist + jnp.take(bs, u_idx) + jnp.take(bo, v_idx)

if __name__ == "__main__":
    import jax
    _d = setup_inputs()
    print(jax.jit(kernel)(*tuple(_d.values())))

</pallas_src>

<mosaic_0001>
#map = affine_map<(d0, d1) -> (0)>
module attributes {stable_mosaic.version = 14 : i64} {
  func.func @ka(%arg0: i32, %arg1: i32, %arg2: memref<1000000xf32, #tpu.memory_space<hbm>>, %arg3: memref<1000000xf32, #tpu.memory_space<hbm>>, %arg4: memref<16384xi32, #tpu.memory_space<hbm>>, %arg5: memref<16384xi32, #tpu.memory_space<hbm>>, %arg6: memref<16384xf32, #tpu.memory_space<hbm>>, %arg7: memref<16384xf32, #tpu.memory_space<hbm>>, %arg8: memref<512xi32, #tpu.memory_space<vmem>>, %arg9: memref<512xi32, #tpu.memory_space<vmem>>, %arg10: memref<512xf32, #tpu.memory_space<vmem>>, %arg11: memref<512xf32, #tpu.memory_space<vmem>>, %arg12: memref<!tpu.dma_semaphore, #tpu.memory_space<semaphore_mem>>) attributes {dimension_semantics = [#tpu.dimension_semantics<core_parallel>, #tpu.dimension_semantics<subcore_parallel>], iteration_bounds = array<i64: 2, 16>, scalar_prefetch = 0 : i64, scratch_operands = 5 : i64, tpu.core_type = #tpu.core_type<sc_vector_subcore>, window_params = [{transform_indices = #map}, {transform_indices = #map}, {transform_indices = #map}, {transform_indices = #map}, {transform_indices = #map}, {transform_indices = #map}]} {
    %mul3A = arith.constant 2 : i32
    %mul3A_0 = arith.muli %arg1, %mul3A : i32
    %add3A = arith.addi %mul3A_0, %arg0 : i32
    %mul3A_1 = arith.constant 512 : i32
    %mul3A_2 = arith.muli %add3A, %mul3A_1 : i32
    "tpu.region"() ({
      %run_scoped3A = tpu.sem_alloc : memref<!tpu.dma_semaphore, #tpu.memory_space<semaphore_mem>>
      %dma_start3A_9 = tpu.memref_slice %arg4[%mul3A_2] : memref<16384xi32, #tpu.memory_space<hbm>> -> memref<512xi32, #tpu.memory_space<hbm>>
      %dma_start3A_10 = tpu.memref_slice %arg4[%mul3A_2] : memref<16384xi32, #tpu.memory_space<hbm>> -> memref<512xi32, #tpu.memory_space<hbm>>
      tpu.enqueue_dma source(%dma_start3A_10 : memref<512xi32, #tpu.memory_space<hbm>>) target(%arg8 : memref<512xi32, #tpu.memory_space<vmem>>) target_semaphore(%run_scoped3A : memref<!tpu.dma_semaphore, #tpu.memory_space<semaphore_mem>>)
      %dma_wait3A_11 = tpu.memref_slice %arg4[%mul3A_2] : memref<16384xi32, #tpu.memory_space<hbm>> -> memref<512xi32, #tpu.memory_space<hbm>>
      %dma_wait3A_12 = tpu.memref_slice %arg4[%mul3A_2] : memref<16384xi32, #tpu.memory_space<hbm>> -> memref<512xi32, #tpu.memory_space<hbm>>
      tpu.wait_dma2 semaphore(%run_scoped3A : memref<!tpu.dma_semaphore, #tpu.memory_space<semaphore_mem>>) src(%dma_wait3A_12 : memref<512xi32, #tpu.memory_space<hbm>>) dst(%arg8 : memref<512xi32, #tpu.memory_space<vmem>>)
      tpu.yield
    }) : () -> ()
    "tpu.region"() ({
      %run_scoped3A = tpu.sem_alloc : memref<!tpu.dma_semaphore, #tpu.memory_space<semaphore_mem>>
      %dma_start3A_9 = tpu.memref_slice %arg5[%mul3A_2] : memref<16384xi32, #tpu.memory_space<hbm>> -> memref<512xi32, #tpu.memory_space<hbm>>
      %dma_start3A_10 = tpu.memref_slice %arg5[%mul3A_2] : memref<16384xi32, #tpu.memory_space<hbm>> -> memref<512xi32, #tpu.memory_space<hbm>>
      tpu.enqueue_dma source(%dma_start3A_10 : memref<512xi32, #tpu.memory_space<hbm>>) target(%arg9 : memref<512xi32, #tpu.memory_space<vmem>>) target_semaphore(%run_scoped3A : memref<!tpu.dma_semaphore, #tpu.memory_space<semaphore_mem>>)
      %dma_wait3A_11 = tpu.memref_slice %arg5[%mul3A_2] : memref<16384xi32, #tpu.memory_space<hbm>> -> memref<512xi32, #tpu.memory_space<hbm>>
      %dma_wait3A_12 = tpu.memref_slice %arg5[%mul3A_2] : memref<16384xi32, #tpu.memory_space<hbm>> -> memref<512xi32, #tpu.memory_space<hbm>>
      tpu.wait_dma2 semaphore(%run_scoped3A : memref<!tpu.dma_semaphore, #tpu.memory_space<semaphore_mem>>) src(%dma_wait3A_12 : memref<512xi32, #tpu.memory_space<hbm>>) dst(%arg9 : memref<512xi32, #tpu.memory_space<vmem>>)
      tpu.yield
    }) : () -> ()
    %dma_start3A = arith.constant 0 : i32
    %dma_start3A_3 = tpu.memref_slice %arg2[%dma_start3A] : memref<1000000xf32, #tpu.memory_space<hbm>> -> memref<1000000xf32, #tpu.memory_space<hbm>>
    tpu.enqueue_indirect_dma source(%dma_start3A_3 : memref<1000000xf32, #tpu.memory_space<hbm>>) target(%arg10 : memref<512xf32, #tpu.memory_space<vmem>>) offsets(%arg8 : memref<512xi32, #tpu.memory_space<vmem>>) semaphore(%arg12 : memref<!tpu.dma_semaphore, #tpu.memory_space<semaphore_mem>>)
    %dma_start3A_4 = arith.constant 0 : i32
    %dma_start3A_5 = tpu.memref_slice %arg3[%dma_start3A_4] : memref<1000000xf32, #tpu.memory_space<hbm>> -> memref<1000000xf32, #tpu.memory_space<hbm>>
    tpu.enqueue_indirect_dma source(%dma_start3A_5 : memref<1000000xf32, #tpu.memory_space<hbm>>) target(%arg11 : memref<512xf32, #tpu.memory_space<vmem>>) offsets(%arg9 : memref<512xi32, #tpu.memory_space<vmem>>) semaphore(%arg12 : memref<!tpu.dma_semaphore, #tpu.memory_space<semaphore_mem>>)
    %dma_wait3A = arith.constant 0 : i32
    %dma_wait3A_6 = tpu.memref_slice %arg2[%dma_wait3A] : memref<1000000xf32, #tpu.memory_space<hbm>> -> memref<1000000xf32, #tpu.memory_space<hbm>>
    tpu.wait_indirect_dma semaphore(%arg12 : memref<!tpu.dma_semaphore, #tpu.memory_space<semaphore_mem>>) src(%dma_wait3A_6 : memref<1000000xf32, #tpu.memory_space<hbm>>) dst(%arg10 : memref<512xf32, #tpu.memory_space<vmem>>)
    %dma_wait3A_7 = arith.constant 0 : i32
    %dma_wait3A_8 = tpu.memref_slice %arg3[%dma_wait3A_7] : memref<1000000xf32, #tpu.memory_space<hbm>> -> memref<1000000xf32, #tpu.memory_space<hbm>>
    tpu.wait_indirect_dma semaphore(%arg12 : memref<!tpu.dma_semaphore, #tpu.memory_space<semaphore_mem>>) src(%dma_wait3A_8 : memref<1000000xf32, #tpu.memory_space<hbm>>) dst(%arg11 : memref<512xf32, #tpu.memory_space<vmem>>)
    "tpu.region"() ({
      %run_scoped3A = tpu.sem_alloc : memref<!tpu.dma_semaphore, #tpu.memory_space<semaphore_mem>>
      %dma_start3A_9 = tpu.memref_slice %arg6[%mul3A_2] : memref<16384xf32, #tpu.memory_space<hbm>> -> memref<512xf32, #tpu.memory_space<hbm>>
      %dma_start3A_10 = tpu.memref_slice %arg6[%mul3A_2] : memref<16384xf32, #tpu.memory_space<hbm>> -> memref<512xf32, #tpu.memory_space<hbm>>
      tpu.enqueue_dma source(%arg10 : memref<512xf32, #tpu.memory_space<vmem>>) target(%dma_start3A_10 : memref<512xf32, #tpu.memory_space<hbm>>) target_semaphore(%run_scoped3A : memref<!tpu.dma_semaphore, #tpu.memory_space<semaphore_mem>>)
      %dma_wait3A_11 = tpu.memref_slice %arg6[%mul3A_2] : memref<16384xf32, #tpu.memory_space<hbm>> -> memref<512xf32, #tpu.memory_space<hbm>>
      %dma_wait3A_12 = tpu.memref_slice %arg6[%mul3A_2] : memref<16384xf32, #tpu.memory_space<hbm>> -> memref<512xf32, #tpu.memory_space<hbm>>
      tpu.wait_dma2 semaphore(%run_scoped3A : memref<!tpu.dma_semaphore, #tpu.memory_space<semaphore_mem>>) src(%arg10 : memref<512xf32, #tpu.memory_space<vmem>>) dst(%dma_wait3A_12 : memref<512xf32, #tpu.memory_space<hbm>>)
      tpu.yield
    }) : () -> ()
    "tpu.region"() ({
      %run_scoped3A = tpu.sem_alloc : memref<!tpu.dma_semaphore, #tpu.memory_space<semaphore_mem>>
      %dma_start3A_9 = tpu.memref_slice %arg7[%mul3A_2] : memref<16384xf32, #tpu.memory_space<hbm>> -> memref<512xf32, #tpu.memory_space<hbm>>
      %dma_start3A_10 = tpu.memref_slice %arg7[%mul3A_2] : memref<16384xf32, #tpu.memory_space<hbm>> -> memref<512xf32, #tpu.memory_space<hbm>>
      tpu.enqueue_dma source(%arg11 : memref<512xf32, #tpu.memory_space<vmem>>) target(%dma_start3A_10 : memref<512xf32, #tpu.memory_space<hbm>>) target_semaphore(%run_scoped3A : memref<!tpu.dma_semaphore, #tpu.memory_space<semaphore_mem>>)
      %dma_wait3A_11 = tpu.memref_slice %arg7[%mul3A_2] : memref<16384xf32, #tpu.memory_space<hbm>> -> memref<512xf32, #tpu.memory_space<hbm>>
      %dma_wait3A_12 = tpu.memref_slice %arg7[%mul3A_2] : memref<16384xf32, #tpu.memory_space<hbm>> -> memref<512xf32, #tpu.memory_space<hbm>>
      tpu.wait_dma2 semaphore(%run_scoped3A : memref<!tpu.dma_semaphore, #tpu.memory_space<semaphore_mem>>) src(%arg11 : memref<512xf32, #tpu.memory_space<vmem>>) dst(%dma_wait3A_12 : memref<512xf32, #tpu.memory_space<hbm>>)
      tpu.yield
    }) : () -> ()
    return
  }
}

module attributes {stable_mosaic.version = 14 : i64} {
  func.func @_math_u_body(%arg0: i32, %arg1: memref<32x2048xf32, #tpu.memory_space<vmem>>, %arg2: memref<32x200xf32, #tpu.memory_space<vmem>>, %arg3: memref<2048xi32, #tpu.memory_space<vmem>>, %arg4: memref<32x2048xf32, #tpu.memory_space<vmem>>) attributes {dimension_semantics = [#tpu.dimension_semantics<arbitrary>], iteration_bounds = array<i64: 8>, scalar_prefetch = 0 : i64, scratch_operands = 0 : i64, tpu.core_type = #tpu.core_type<tc>, window_params = [{transform_indices = @transform_0, window_bounds = array<i64: 32, 2048>}, {pipeline_mode = #tpu.pipeline_mode<synchronous>, transform_indices = @transform_1, window_bounds = array<i64: 32, 200>}, {transform_indices = @transform_2, window_bounds = array<i64: 2048>}, {transform_indices = @transform_3, window_bounds = array<i64: 32, 2048>}]} {
    %get3A = arith.constant 0 : index
    %get3A_0 = arith.constant 0 : index
    %get3A_1 = vector.load %arg1[%get3A, %get3A_0] : memref<32x2048xf32, #tpu.memory_space<vmem>>, vector<32x2048xf32>
    %mul3A = arith.mulf %get3A_1, %get3A_1 : vector<32x2048xf32>
    %reduce_sum3A = arith.constant dense<0.000000e+00> : vector<2048xf32>
    %reduce_sum3A_2 = vector.multi_reduction <add>, %mul3A, %reduce_sum3A [0] : vector<32x2048xf32> to vector<2048xf32>
    %broadcast_in_dim3A = vector.shape_cast %reduce_sum3A_2 : vector<2048xf32> to vector<1x2048xf32>
    %sqrt3A = math.sqrt %broadcast_in_dim3A : vector<1x2048xf32>
    %ge3A = arith.constant 1.000000e+00 : f32
    %ge3A_3 = vector.broadcast %ge3A : f32 to vector<1x2048xf32>
    %ge3A_4 = arith.cmpf oge, %sqrt3A, %ge3A_3 : vector<1x2048xf32>
    %sub3A = arith.constant 9.99999974E-6 : f32
    %sub3A_5 = vector.broadcast %sub3A : f32 to vector<1x2048xf32>
    %sub3A_6 = arith.subf %sqrt3A, %sub3A_5 : vector<1x2048xf32>
    %div3A = vector.broadcast %sub3A_6 : vector<1x2048xf32> to vector<32x2048xf32>
    %div3A_7 = arith.divf %get3A_1, %div3A : vector<32x2048xf32>
    %broadcast_in_dim3A_8 = vector.shape_cast %ge3A_4 : vector<1x2048xi1> to vector<1x2048xi1>
    %broadcast_in_dim3A_9 = vector.broadcast %broadcast_in_dim3A_8 : vector<1x2048xi1> to vector<32x2048xi1>
    %select_n3A = arith.select %broadcast_in_dim3A_9, %div3A_7, %get3A_1 : vector<32x2048xi1>, vector<32x2048xf32>
    %get3A_10 = arith.constant 0 : index
    %get3A_11 = vector.load %arg3[%get3A_10] : memref<2048xi32, #tpu.memory_space<vmem>>, vector<2048xi32>
    %iota3A = tpu.iota {dimensions = array<i32: 0>} : vector<200x1xi32>
    %broadcast_in_dim3A_12 = vector.shape_cast %get3A_11 : vector<2048xi32> to vector<1x2048xi32>
    %eq3A = vector.broadcast %iota3A : vector<200x1xi32> to vector<200x2048xi32>
    %eq3A_13 = vector.broadcast %broadcast_in_dim3A_12 : vector<1x2048xi32> to vector<200x2048xi32>
    %eq3A_14 = arith.cmpi eq, %eq3A, %eq3A_13 : vector<200x2048xi32>
    %convert_element_type3A = arith.extui %eq3A_14 : vector<200x2048xi1> to vector<200x2048xi32>
    %convert_element_type3A_15 = arith.sitofp %convert_element_type3A : vector<200x2048xi32> to vector<200x2048xf32>
    %get3A_16 = arith.constant 0 : index
    %get3A_17 = arith.constant 0 : index
    %get3A_18 = vector.load %arg2[%get3A_16, %get3A_17] : memref<32x200xf32, #tpu.memory_space<vmem>>, vector<32x200xf32>
    %dot_general3A = arith.constant dense<0.000000e+00> : vector<32x2048xf32>
    %dot_general3A_19 = tpu.matmul %get3A_18, %convert_element_type3A_15, %dot_general3A {dimension_numbers = #tpu.dot_dimension_numbers<[1], [0], [0], [1], [0, 0, 1, 1], [], []>, transpose_lhs_hint = false} : vector<32x200xf32>, vector<200x2048xf32>, vector<32x2048xf32> -> vector<32x2048xf32>
    %mul3A_20 = arith.mulf %select_n3A, %select_n3A : vector<32x2048xf32>
    %reduce_sum3A_21 = arith.constant dense<0.000000e+00> : vector<2048xf32>
    %reduce_sum3A_22 = vector.multi_reduction <add>, %mul3A_20, %reduce_sum3A_21 [0] : vector<32x2048xf32> to vector<2048xf32>
    %broadcast_in_dim3A_23 = vector.shape_cast %reduce_sum3A_22 : vector<2048xf32> to vector<1x2048xf32>
    %sqrt3A_24 = math.sqrt %broadcast_in_dim3A_23 : vector<1x2048xf32>
    %jit3A = arith.constant 1.000000e-10 : f32
    %jit3A_25 = arith.constant 0.999989986 : f32
    %max3A = vector.broadcast %jit3A : f32 to vector<1x2048xf32>
    %max3A_26 = arith.maximumf %max3A, %sqrt3A_24 : vector<1x2048xf32>
    %min3A = vector.broadcast %jit3A_25 : f32 to vector<1x2048xf32>
    %min3A_27 = arith.minimumf %min3A, %max3A_26 : vector<1x2048xf32>
    %add3A = arith.constant 1.000000e+00 : f32
    %add3A_28 = vector.broadcast %add3A : f32 to vector<1x2048xf32>
    %add3A_29 = arith.addf %add3A_28, %min3A_27 : vector<1x2048xf32>
    %sub3A_30 = arith.constant 1.000000e+00 : f32
    %sub3A_31 = vector.broadcast %sub3A_30 : f32 to vector<1x2048xf32>
    %sub3A_32 = arith.subf %sub3A_31, %min3A_27 : vector<1x2048xf32>
    %div3A_33 = arith.divf %add3A_29, %sub3A_32 : vector<1x2048xf32>
    %log3A = math.log %div3A_33 : vector<1x2048xf32>
    %mul3A_34 = arith.constant 5.000000e-01 : f32
    %mul3A_35 = vector.broadcast %mul3A_34 : f32 to vector<1x2048xf32>
    %mul3A_36 = arith.mulf %mul3A_35, %log3A : vector<1x2048xf32>
    %mul3A_37 = vector.broadcast %mul3A_36 : vector<1x2048xf32> to vector<32x2048xf32>
    %mul3A_38 = arith.mulf %mul3A_37, %select_n3A : vector<32x2048xf32>
    %div3A_39 = vector.broadcast %min3A_27 : vector<1x2048xf32> to vector<32x2048xf32>
    %div3A_40 = arith.divf %mul3A_38, %div3A_39 : vector<32x2048xf32>
    %mul3A_41 = arith.mulf %div3A_40, %dot_general3A_19 : vector<32x2048xf32>
    %mul3A_42 = arith.mulf %mul3A_41, %mul3A_41 : vector<32x2048xf32>
    %reduce_sum3A_43 = arith.constant dense<0.000000e+00> : vector<2048xf32>
    %reduce_sum3A_44 = vector.multi_reduction <add>, %mul3A_42, %reduce_sum3A_43 [0] : vector<32x2048xf32> to vector<2048xf32>
    %broadcast_in_dim3A_45 = vector.shape_cast %reduce_sum3A_44 : vector<2048xf32> to vector<1x2048xf32>
    %sqrt3A_46 = math.sqrt %broadcast_in_dim3A_45 : vector<1x2048xf32>
    %jit3A_47 = arith.constant 1.000000e-10 : f32
    %max3A_48 = vector.broadcast %jit3A_47 : f32 to vector<1x2048xf32>
    %max3A_49 = arith.maximumf %max3A_48, %sqrt3A_46 : vector<1x2048xf32>
    %tanh3A = math.tanh %max3A_49 : vector<1x2048xf32>
    %mul3A_50 = vector.broadcast %tanh3A : vector<1x2048xf32> to vector<32x2048xf32>
    %mul3A_51 = arith.mulf %mul3A_50, %mul3A_41 : vector<32x2048xf32>
    %div3A_52 = vector.broadcast %max3A_49 : vector<1x2048xf32> to vector<32x2048xf32>
    %div3A_53 = arith.divf %mul3A_51, %div3A_52 : vector<32x2048xf32>
    %mul3A_54 = arith.mulf %div3A_53, %div3A_53 : vector<32x2048xf32>
    %reduce_sum3A_55 = arith.constant dense<0.000000e+00> : vector<2048xf32>
    %reduce_sum3A_56 = vector.multi_reduction <add>, %mul3A_54, %reduce_sum3A_55 [0] : vector<32x2048xf32> to vector<2048xf32>
    %broadcast_in_dim3A_57 = vector.shape_cast %reduce_sum3A_56 : vector<2048xf32> to vector<1x2048xf32>
    %sqrt3A_58 = math.sqrt %broadcast_in_dim3A_57 : vector<1x2048xf32>
    %ge3A_59 = arith.constant 1.000000e+00 : f32
    %ge3A_60 = vector.broadcast %ge3A_59 : f32 to vector<1x2048xf32>
    %ge3A_61 = arith.cmpf oge, %sqrt3A_58, %ge3A_60 : vector<1x2048xf32>
    %sub3A_62 = arith.constant 9.99999974E-6 : f32
    %sub3A_63 = vector.broadcast %sub3A_62 : f32 to vector<1x2048xf32>
    %sub3A_64 = arith.subf %sqrt3A_58, %sub3A_63 : vector<1x2048xf32>
    %div3A_65 = vector.broadcast %sub3A_64 : vector<1x2048xf32> to vector<32x2048xf32>
    %div3A_66 = arith.divf %div3A_53, %div3A_65 : vector<32x2048xf32>
    %broadcast_in_dim3A_67 = vector.shape_cast %ge3A_61 : vector<1x2048xi1> to vector<1x2048xi1>
    %broadcast_in_dim3A_68 = vector.broadcast %broadcast_in_dim3A_67 : vector<1x2048xi1> to vector<32x2048xi1>
    %select_n3A_69 = arith.select %broadcast_in_dim3A_68, %div3A_66, %div3A_53 : vector<32x2048xi1>, vector<32x2048xf32>
    %swap3A = arith.constant 0 : index
    %swap3A_70 = arith.constant 0 : index
    %swap3A_71 = vector.load %arg4[%swap3A, %swap3A_70] : memref<32x2048xf32, #tpu.memory_space<vmem>>, vector<32x2048xf32>
    tpu.vector_store %arg4[%swap3A, %swap3A_70], %select_n3A_69 {strides = array<i32>} : memref<32x2048xf32, #tpu.memory_space<vmem>>, vector<32x2048xf32>,
    return
  }
  func.func @transform_0(%arg0: i32) -> (i32, i32) {
    %c0_i32 = arith.constant 0 : i32
    %c0_i32_0 = arith.constant 0 : i32
    return %c0_i32, %arg0 : i32, i32
  }
  func.func @transform_1(%arg0: i32) -> (i32, i32) {
    %c0_i32 = arith.constant 0 : i32
    %c0_i32_0 = arith.constant 0 : i32
    %c0_i32_1 = arith.constant 0 : i32
    return %c0_i32, %c0_i32_0 : i32, i32
  }
  func.func @transform_2(%arg0: i32) -> i32 {
    %c0_i32 = arith.constant 0 : i32
    return %arg0 : i32
  }
  func.func @transform_3(%arg0: i32) -> (i32, i32) {
    %c0_i32 = arith.constant 0 : i32
    %c0_i32_0 = arith.constant 0 : i32
    return %c0_i32, %arg0 : i32, i32
  }
}

module attributes {stable_mosaic.version = 14 : i64} {
  func.func @_math_v_body(%arg0: i32, %arg1: memref<32x2048xf32, #tpu.memory_space<vmem>>, %arg2: memref<32x2048xf32, #tpu.memory_space<vmem>>, %arg3: memref<32x200xf32, #tpu.memory_space<vmem>>, %arg4: memref<2048xi32, #tpu.memory_space<vmem>>, %arg5: memref<2048xf32, #tpu.memory_space<vmem>>) attributes {dimension_semantics = [#tpu.dimension_semantics<arbitrary>], iteration_bounds = array<i64: 8>, scalar_prefetch = 0 : i64, scratch_operands = 0 : i64, tpu.core_type = #tpu.core_type<tc>, window_params = [{transform_indices = @transform_0, window_bounds = array<i64: 32, 2048>}, {transform_indices = @transform_1, window_bounds = array<i64: 32, 2048>}, {pipeline_mode = #tpu.pipeline_mode<synchronous>, transform_indices = @transform_2, window_bounds = array<i64: 32, 200>}, {transform_indices = @transform_3, window_bounds = array<i64: 2048>}, {transform_indices = @transform_4, window_bounds = array<i64: 2048>}]} {
    %get3A = arith.constant 0 : index
    %get3A_0 = arith.constant 0 : index
    %get3A_1 = vector.load %arg2[%get3A, %get3A_0] : memref<32x2048xf32, #tpu.memory_space<vmem>>, vector<32x2048xf32>
    %mul3A = arith.mulf %get3A_1, %get3A_1 : vector<32x2048xf32>
    %reduce_sum3A = arith.constant dense<0.000000e+00> : vector<2048xf32>
    %reduce_sum3A_2 = vector.multi_reduction <add>, %mul3A, %reduce_sum3A [0] : vector<32x2048xf32> to vector<2048xf32>
    %broadcast_in_dim3A = vector.shape_cast %reduce_sum3A_2 : vector<2048xf32> to vector<1x2048xf32>
    %sqrt3A = math.sqrt %broadcast_in_dim3A : vector<1x2048xf32>
    %ge3A = arith.constant 1.000000e+00 : f32
    %ge3A_3 = vector.broadcast %ge3A : f32 to vector<1x2048xf32>
    %ge3A_4 = arith.cmpf oge, %sqrt3A, %ge3A_3 : vector<1x2048xf32>
    %sub3A = arith.constant 9.99999974E-6 : f32
    %sub3A_5 = vector.broadcast %sub3A : f32 to vector<1x2048xf32>
    %sub3A_6 = arith.subf %sqrt3A, %sub3A_5 : vector<1x2048xf32>
    %div3A = vector.broadcast %sub3A_6 : vector<1x2048xf32> to vector<32x2048xf32>
    %div3A_7 = arith.divf %get3A_1, %div3A : vector<32x2048xf32>
    %broadcast_in_dim3A_8 = vector.shape_cast %ge3A_4 : vector<1x2048xi1> to vector<1x2048xi1>
    %broadcast_in_dim3A_9 = vector.broadcast %broadcast_in_dim3A_8 : vector<1x2048xi1> to vector<32x2048xi1>
    %select_n3A = arith.select %broadcast_in_dim3A_9, %div3A_7, %get3A_1 : vector<32x2048xi1>, vector<32x2048xf32>
    %get3A_10 = arith.constant 0 : index
    %get3A_11 = vector.load %arg4[%get3A_10] : memref<2048xi32, #tpu.memory_space<vmem>>, vector<2048xi32>
    %iota3A = tpu.iota {dimensions = array<i32: 0>} : vector<200x1xi32>
    %broadcast_in_dim3A_12 = vector.shape_cast %get3A_11 : vector<2048xi32> to vector<1x2048xi32>
    %eq3A = vector.broadcast %iota3A : vector<200x1xi32> to vector<200x2048xi32>
    %eq3A_13 = vector.broadcast %broadcast_in_dim3A_12 : vector<1x2048xi32> to vector<200x2048xi32>
    %eq3A_14 = arith.cmpi eq, %eq3A, %eq3A_13 : vector<200x2048xi32>
    %convert_element_type3A = arith.extui %eq3A_14 : vector<200x2048xi1> to vector<200x2048xi32>
    %convert_element_type3A_15 = arith.sitofp %convert_element_type3A : vector<200x2048xi32> to vector<200x2048xf32>
    %get3A_16 = arith.constant 0 : index
    %get3A_17 = arith.constant 0 : index
    %get3A_18 = vector.load %arg3[%get3A_16, %get3A_17] : memref<32x200xf32, #tpu.memory_space<vmem>>, vector<32x200xf32>
    %dot_general3A = arith.constant dense<0.000000e+00> : vector<32x2048xf32>
    %dot_general3A_19 = tpu.matmul %get3A_18, %convert_element_type3A_15, %dot_general3A {dimension_numbers = #tpu.dot_dimension_numbers<[1], [0], [0], [1], [0, 0, 1, 1], [], []>, transpose_lhs_hint = false} : vector<32x200xf32>, vector<200x2048xf32>, vector<32x2048xf32> -> vector<32x2048xf32>
    %mul3A_20 = arith.mulf %dot_general3A_19, %dot_general3A_19 : vector<32x2048xf32>
    %reduce_sum3A_21 = arith.constant dense<0.000000e+00> : vector<2048xf32>
    %reduce_sum3A_22 = vector.multi_reduction <add>, %mul3A_20, %reduce_sum3A_21 [0] : vector<32x2048xf32> to vector<2048xf32>
    %broadcast_in_dim3A_23 = vector.shape_cast %reduce_sum3A_22 : vector<2048xf32> to vector<1x2048xf32>
    %sqrt3A_24 = math.sqrt %broadcast_in_dim3A_23 : vector<1x2048xf32>
    %ge3A_25 = arith.constant 1.000000e+00 : f32
    %ge3A_26 = vector.broadcast %ge3A_25 : f32 to vector<1x2048xf32>
    %ge3A_27 = arith.cmpf oge, %sqrt3A_24, %ge3A_26 : vector<1x2048xf32>
    %sub3A_28 = arith.constant 9.99999974E-6 : f32
    %sub3A_29 = vector.broadcast %sub3A_28 : f32 to vector<1x2048xf32>
    %sub3A_30 = arith.subf %sqrt3A_24, %sub3A_29 : vector<1x2048xf32>
    %div3A_31 = vector.broadcast %sub3A_30 : vector<1x2048xf32> to vector<32x2048xf32>
    %div3A_32 = arith.divf %dot_general3A_19, %div3A_31 : vector<32x2048xf32>
    %broadcast_in_dim3A_33 = vector.shape_cast %ge3A_27 : vector<1x2048xi1> to vector<1x2048xi1>
    %broadcast_in_dim3A_34 = vector.broadcast %broadcast_in_dim3A_33 : vector<1x2048xi1> to vector<32x2048xi1>
    %select_n3A_35 = arith.select %broadcast_in_dim3A_34, %div3A_32, %dot_general3A_19 : vector<32x2048xi1>, vector<32x2048xf32>
    %mul3A_36 = arith.mulf %select_n3A, %select_n3A : vector<32x2048xf32>
    %reduce_sum3A_37 = arith.constant dense<0.000000e+00> : vector<2048xf32>
    %reduce_sum3A_38 = vector.multi_reduction <add>, %mul3A_36, %reduce_sum3A_37 [0] : vector<32x2048xf32> to vector<2048xf32>
    %broadcast_in_dim3A_39 = vector.shape_cast %reduce_sum3A_38 : vector<2048xf32> to vector<1x2048xf32>
    %jit3A = arith.constant 0.000000e+00 : f32
    %jit3A_40 = arith.constant 0.999989986 : f32
    %max3A = vector.broadcast %jit3A : f32 to vector<1x2048xf32>
    %max3A_41 = arith.maximumf %max3A, %broadcast_in_dim3A_39 : vector<1x2048xf32>
    %min3A = vector.broadcast %jit3A_40 : f32 to vector<1x2048xf32>
    %min3A_42 = arith.minimumf %min3A, %max3A_41 : vector<1x2048xf32>
    %mul3A_43 = arith.mulf %select_n3A_35, %select_n3A_35 : vector<32x2048xf32>
    %reduce_sum3A_44 = arith.constant dense<0.000000e+00> : vector<2048xf32>
    %reduce_sum3A_45 = vector.multi_reduction <add>, %mul3A_43, %reduce_sum3A_44 [0] : vector<32x2048xf32> to vector<2048xf32>
    %broadcast_in_dim3A_46 = vector.shape_cast %reduce_sum3A_45 : vector<2048xf32> to vector<1x2048xf32>
    %jit3A_47 = arith.constant 0.000000e+00 : f32
    %jit3A_48 = arith.constant 0.999989986 : f32
    %max3A_49 = vector.broadcast %jit3A_47 : f32 to vector<1x2048xf32>
    %max3A_50 = arith.maximumf %max3A_49, %broadcast_in_dim3A_46 : vector<1x2048xf32>
    %min3A_51 = vector.broadcast %jit3A_48 : f32 to vector<1x2048xf32>
    %min3A_52 = arith.minimumf %min3A_51, %max3A_50 : vector<1x2048xf32>
    %mul3A_53 = arith.mulf %select_n3A, %select_n3A_35 : vector<32x2048xf32>
    %reduce_sum3A_54 = arith.constant dense<0.000000e+00> : vector<2048xf32>
    %reduce_sum3A_55 = vector.multi_reduction <add>, %mul3A_53, %reduce_sum3A_54 [0] : vector<32x2048xf32> to vector<2048xf32>
    %broadcast_in_dim3A_56 = vector.shape_cast %reduce_sum3A_55 : vector<2048xf32> to vector<1x2048xf32>
    %mul3A_57 = arith.constant 2.000000e+00 : f32
    %mul3A_58 = vector.broadcast %mul3A_57 : f32 to vector<1x2048xf32>
    %mul3A_59 = arith.mulf %mul3A_58, %broadcast_in_dim3A_56 : vector<1x2048xf32>
    %add3A = arith.constant 1.000000e+00 : f32
    %add3A_60 = vector.broadcast %add3A : f32 to vector<1x2048xf32>
    %add3A_61 = arith.addf %add3A_60, %mul3A_59 : vector<1x2048xf32>
    %add3A_62 = arith.addf %add3A_61, %min3A_52 : vector<1x2048xf32>
    %mul3A_63 = vector.broadcast %add3A_62 : vector<1x2048xf32> to vector<32x2048xf32>
    %mul3A_64 = arith.mulf %mul3A_63, %select_n3A : vector<32x2048xf32>
    %sub3A_65 = arith.constant 1.000000e+00 : f32
    %sub3A_66 = vector.broadcast %sub3A_65 : f32 to vector<1x2048xf32>
    %sub3A_67 = arith.subf %sub3A_66, %min3A_42 : vector<1x2048xf32>
    %mul3A_68 = vector.broadcast %sub3A_67 : vector<1x2048xf32> to vector<32x2048xf32>
    %mul3A_69 = arith.mulf %mul3A_68, %select_n3A_35 : vector<32x2048xf32>
    %add3A_70 = arith.addf %mul3A_64, %mul3A_69 : vector<32x2048xf32>
    %mul3A_71 = arith.constant 2.000000e+00 : f32
    %mul3A_72 = vector.broadcast %mul3A_71 : f32 to vector<1x2048xf32>
    %mul3A_73 = arith.mulf %mul3A_72, %broadcast_in_dim3A_56 : vector<1x2048xf32>
    %add3A_74 = arith.constant 1.000000e+00 : f32
    %add3A_75 = vector.broadcast %add3A_74 : f32 to vector<1x2048xf32>
    %add3A_76 = arith.addf %add3A_75, %mul3A_73 : vector<1x2048xf32>
    %mul3A_77 = arith.mulf %min3A_42, %min3A_52 : vector<1x2048xf32>
    %add3A_78 = arith.addf %add3A_76, %mul3A_77 : vector<1x2048xf32>
    %div3A_79 = vector.broadcast %add3A_78 : vector<1x2048xf32> to vector<32x2048xf32>
    %div3A_80 = arith.divf %add3A_70, %div3A_79 : vector<32x2048xf32>
    %mul3A_81 = arith.mulf %div3A_80, %div3A_80 : vector<32x2048xf32>
    %reduce_sum3A_82 = arith.constant dense<0.000000e+00> : vector<2048xf32>
    %reduce_sum3A_83 = vector.multi_reduction <add>, %mul3A_81, %reduce_sum3A_82 [0] : vector<32x2048xf32> to vector<2048xf32>
    %broadcast_in_dim3A_84 = vector.shape_cast %reduce_sum3A_83 : vector<2048xf32> to vector<1x2048xf32>
    %sqrt3A_85 = math.sqrt %broadcast_in_dim3A_84 : vector<1x2048xf32>
    %ge3A_86 = arith.constant 1.000000e+00 : f32
    %ge3A_87 = vector.broadcast %ge3A_86 : f32 to vector<1x2048xf32>
    %ge3A_88 = arith.cmpf oge, %sqrt3A_85, %ge3A_87 : vector<1x2048xf32>
    %sub3A_89 = arith.constant 9.99999974E-6 : f32
    %sub3A_90 = vector.broadcast %sub3A_89 : f32 to vector<1x2048xf32>
    %sub3A_91 = arith.subf %sqrt3A_85, %sub3A_90 : vector<1x2048xf32>
    %div3A_92 = vector.broadcast %sub3A_91 : vector<1x2048xf32> to vector<32x2048xf32>
    %div3A_93 = arith.divf %div3A_80, %div3A_92 : vector<32x2048xf32>
    %broadcast_in_dim3A_94 = vector.shape_cast %ge3A_88 : vector<1x2048xi1> to vector<1x2048xi1>
    %broadcast_in_dim3A_95 = vector.broadcast %broadcast_in_dim3A_94 : vector<1x2048xi1> to vector<32x2048xi1>
    %select_n3A_96 = arith.select %broadcast_in_dim3A_95, %div3A_93, %div3A_80 : vector<32x2048xi1>, vector<32x2048xf32>
    %get3A_97 = arith.constant 0 : index
    %get3A_98 = arith.constant 0 : index
    %get3A_99 = vector.load %arg1[%get3A_97, %get3A_98] : memref<32x2048xf32, #tpu.memory_space<vmem>>, vector<32x2048xf32>
    %neg3A = arith.constant 0.000000e+00 : f32
    %neg3A_100 = vector.broadcast %neg3A : f32 to vector<32x2048xf32>
    %neg3A_101 = arith.subf %neg3A_100, %get3A_99 : vector<32x2048xf32>
    %mul3A_102 = arith.mulf %neg3A_101, %neg3A_101 : vector<32x2048xf32>
    %reduce_sum3A_103 = arith.constant dense<0.000000e+00> : vector<2048xf32>
    %reduce_sum3A_104 = vector.multi_reduction <add>, %mul3A_102, %reduce_sum3A_103 [0] : vector<32x2048xf32> to vector<2048xf32>
    %broadcast_in_dim3A_105 = vector.shape_cast %reduce_sum3A_104 : vector<2048xf32> to vector<1x2048xf32>
    %jit3A_106 = arith.constant 0.000000e+00 : f32
    %jit3A_107 = arith.constant 0.999989986 : f32
    %max3A_108 = vector.broadcast %jit3A_106 : f32 to vector<1x2048xf32>
    %max3A_109 = arith.maximumf %max3A_108, %broadcast_in_dim3A_105 : vector<1x2048xf32>
    %min3A_110 = vector.broadcast %jit3A_107 : f32 to vector<1x2048xf32>
    %min3A_111 = arith.minimumf %min3A_110, %max3A_109 : vector<1x2048xf32>
    %mul3A_112 = arith.mulf %select_n3A_96, %select_n3A_96 : vector<32x2048xf32>
    %reduce_sum3A_113 = arith.constant dense<0.000000e+00> : vector<2048xf32>
    %reduce_sum3A_114 = vector.multi_reduction <add>, %mul3A_112, %reduce_sum3A_113 [0] : vector<32x2048xf32> to vector<2048xf32>
    %broadcast_in_dim3A_115 = vector.shape_cast %reduce_sum3A_114 : vector<2048xf32> to vector<1x2048xf32>
    %jit3A_116 = arith.constant 0.000000e+00 : f32
    %jit3A_117 = arith.constant 0.999989986 : f32
    %max3A_118 = vector.broadcast %jit3A_116 : f32 to vector<1x2048xf32>
    %max3A_119 = arith.maximumf %max3A_118, %broadcast_in_dim3A_115 : vector<1x2048xf32>
    %min3A_120 = vector.broadcast %jit3A_117 : f32 to vector<1x2048xf32>
    %min3A_121 = arith.minimumf %min3A_120, %max3A_119 : vector<1x2048xf32>
    %mul3A_122 = arith.mulf %neg3A_101, %select_n3A_96 : vector<32x2048xf32>
    %reduce_sum3A_123 = arith.constant dense<0.000000e+00> : vector<2048xf32>
    %reduce_sum3A_124 = vector.multi_reduction <add>, %mul3A_122, %reduce_sum3A_123 [0] : vector<32x2048xf32> to vector<2048xf32>
    %broadcast_in_dim3A_125 = vector.shape_cast %reduce_sum3A_124 : vector<2048xf32> to vector<1x2048xf32>
    %mul3A_126 = arith.constant 2.000000e+00 : f32
    %mul3A_127 = vector.broadcast %mul3A_126 : f32 to vector<1x2048xf32>
    %mul3A_128 = arith.mulf %mul3A_127, %broadcast_in_dim3A_125 : vector<1x2048xf32>
    %add3A_129 = arith.constant 1.000000e+00 : f32
    %add3A_130 = vector.broadcast %add3A_129 : f32 to vector<1x2048xf32>
    %add3A_131 = arith.addf %add3A_130, %mul3A_128 : vector<1x2048xf32>
    %add3A_132 = arith.addf %add3A_131, %min3A_121 : vector<1x2048xf32>
    %mul3A_133 = vector.broadcast %add3A_132 : vector<1x2048xf32> to vector<32x2048xf32>
    %mul3A_134 = arith.mulf %mul3A_133, %neg3A_101 : vector<32x2048xf32>
    %sub3A_135 = arith.constant 1.000000e+00 : f32
    %sub3A_136 = vector.broadcast %sub3A_135 : f32 to vector<1x2048xf32>
    %sub3A_137 = arith.subf %sub3A_136, %min3A_111 : vector<1x2048xf32>
    %mul3A_138 = vector.broadcast %sub3A_137 : vector<1x2048xf32> to vector<32x2048xf32>
    %mul3A_139 = arith.mulf %mul3A_138, %select_n3A_96 : vector<32x2048xf32>
    %add3A_140 = arith.addf %mul3A_134, %mul3A_139 : vector<32x2048xf32>
    %mul3A_141 = arith.constant 2.000000e+00 : f32
    %mul3A_142 = vector.broadcast %mul3A_141 : f32 to vector<1x2048xf32>
    %mul3A_143 = arith.mulf %mul3A_142, %broadcast_in_dim3A_125 : vector<1x2048xf32>
    %add3A_144 = arith.constant 1.000000e+00 : f32
    %add3A_145 = vector.broadcast %add3A_144 : f32 to vector<1x2048xf32>
    %add3A_146 = arith.addf %add3A_145, %mul3A_143 : vector<1x2048xf32>
    %mul3A_147 = arith.mulf %min3A_111, %min3A_121 : vector<1x2048xf32>
    %add3A_148 = arith.addf %add3A_146, %mul3A_147 : vector<1x2048xf32>
    %div3A_149 = vector.broadcast %add3A_148 : vector<1x2048xf32> to vector<32x2048xf32>
    %div3A_150 = arith.divf %add3A_140, %div3A_149 : vector<32x2048xf32>
    %mul3A_151 = arith.mulf %div3A_150, %div3A_150 : vector<32x2048xf32>
    %reduce_sum3A_152 = arith.constant dense<0.000000e+00> : vector<2048xf32>
    %reduce_sum3A_153 = vector.multi_reduction <add>, %mul3A_151, %reduce_sum3A_152 [0] : vector<32x2048xf32> to vector<2048xf32>
    %broadcast_in_dim3A_154 = vector.shape_cast %reduce_sum3A_153 : vector<2048xf32> to vector<1x2048xf32>
    %sqrt3A_155 = math.sqrt %broadcast_in_dim3A_154 : vector<1x2048xf32>
    %jit3A_156 = arith.constant 1.000000e-10 : f32
    %jit3A_157 = arith.constant 0.999989986 : f32
    %max3A_158 = vector.broadcast %jit3A_156 : f32 to vector<1x2048xf32>
    %max3A_159 = arith.maximumf %max3A_158, %sqrt3A_155 : vector<1x2048xf32>
    %min3A_160 = vector.broadcast %jit3A_157 : f32 to vector<1x2048xf32>
    %min3A_161 = arith.minimumf %min3A_160, %max3A_159 : vector<1x2048xf32>
    %add3A_162 = arith.constant 1.000000e+00 : f32
    %add3A_163 = vector.broadcast %add3A_162 : f32 to vector<1x2048xf32>
    %add3A_164 = arith.addf %add3A_163, %min3A_161 : vector<1x2048xf32>
    %sub3A_165 = arith.constant 1.000000e+00 : f32
    %sub3A_166 = vector.broadcast %sub3A_165 : f32 to vector<1x2048xf32>
    %sub3A_167 = arith.subf %sub3A_166, %min3A_161 : vector<1x2048xf32>
    %div3A_168 = arith.divf %add3A_164, %sub3A_167 : vector<1x2048xf32>
    %log3A = math.log %div3A_168 : vector<1x2048xf32>
    %mul3A_169 = arith.constant 5.000000e-01 : f32
    %mul3A_170 = vector.broadcast %mul3A_169 : f32 to vector<1x2048xf32>
    %mul3A_171 = arith.mulf %mul3A_170, %log3A : vector<1x2048xf32>
    %mul3A_172 = arith.constant 2.000000e+00 : f32
    %mul3A_173 = vector.broadcast %mul3A_172 : f32 to vector<1x2048xf32>
    %mul3A_174 = arith.mulf %mul3A_173, %mul3A_171 : vector<1x2048xf32>
    %integer_pow3A = arith.mulf %mul3A_174, %mul3A_174 : vector<1x2048xf32>
    %squeeze3A = vector.shape_cast %integer_pow3A : vector<1x2048xf32> to vector<2048xf32>
    %neg3A_175 = arith.constant 0.000000e+00 : f32
    %neg3A_176 = vector.broadcast %neg3A_175 : f32 to vector<2048xf32>
    %neg3A_177 = arith.subf %neg3A_176, %squeeze3A : vector<2048xf32>
    %swap3A = arith.constant 0 : index
    %swap3A_178 = vector.load %arg5[%swap3A] : memref<2048xf32, #tpu.memory_space<vmem>>, vector<2048xf32>
    tpu.vector_store %arg5[%swap3A], %neg3A_177 {strides = array<i32>} : memref<2048xf32, #tpu.memory_space<vmem>>, vector<2048xf32>,
    return
  }
  func.func @transform_0(%arg0: i32) -> (i32, i32) {
    %c0_i32 = arith.constant 0 : i32
    %c0_i32_0 = arith.constant 0 : i32
    return %c0_i32, %arg0 : i32, i32
  }
  func.func @transform_1(%arg0: i32) -> (i32, i32) {
    %c0_i32 = arith.constant 0 : i32
    %c0_i32_0 = arith.constant 0 : i32
    return %c0_i32, %arg0 : i32, i32
  }
  func.func @transform_2(%arg0: i32) -> (i32, i32) {
    %c0_i32 = arith.constant 0 : i32
    %c0_i32_0 = arith.constant 0 : i32
    %c0_i32_1 = arith.constant 0 : i32
    return %c0_i32, %c0_i32_0 : i32, i32
  }
  func.func @transform_3(%arg0: i32) -> i32 {
    %c0_i32 = arith.constant 0 : i32
    return %arg0 : i32
  }
  func.func @transform_4(%arg0: i32) -> i32 {
    %c0_i32 = arith.constant 0 : i32
    return %arg0 : i32
  }
}

</mosaic_0001>

<sc_bundles>
// kernel: gather_offload_async_start.1
scs
__scs_entry_jumppad:
0x0: {  	(pc) =	sbr.rel $0x88, $3  }
0x1: {  	(tag) =	ssettag $0x0;
	lr =	simm.s32 $0x1  }
0x2: {  	[smem:$0x3F99] =	sst lr;
	_ =	strace $0xD0000000  }
0x3: {  	_ = 	snop  }
0x4: {  	_ = 	snop  }
0x5: {  	_ = 	snop  }
0x6: {  	_ = 	snop  }
0x7: {  	_ = 	snop  }
__scs_overlays_trampoline_lowered:
0x8: {  	[smem:$0x3FA8] =	sst s0  }
0x9: {  	[smem:$0x3FA9] =	sst s1  }
0xa: {  	[smem:$0x3FAA] =	sst s2  }
0xb: {  	[smem:$0x3FAB] =	sst s3  }
0xc: {  	[smem:$0x3FAC] =	sst s4  }
0xd: {  	[smem:$0x3FAD] =	sst s5  }
0xe: {  	[smem:$0x3FAE] =	sst s6  }
0xf: {  	[smem:$0x3FAF] =	sst s7  }
0x10: {  	[smem:$0x3FB0] =	sst s8  }
0x11: {  	[smem:$0x3FB1] =	sst s9;
	s0 =	simm.s32 @!p0 $0x0  }
0x12: {  	s1 =	sld [smem:$0x3F97];
	s0 =	simm.s32 @p0 $0x1  }
0x13: {  	[smem:$0x3FB2] =	sst s0;
	s0 =	simm.s32 @!p1 $0x0  }
0x14: {  	s2 =	sld [smem:$0x3F96];
	s0 =	simm.s32 @p1 $0x1  }
0x15: {  	[smem:$0x3FB3] =	sst s0;
	s0 =	simm.s32 @!p2 $0x0  }
0x16: {  	s3 =	sld [smem:$0x3FDB];
	s0 =	simm.s32 @p2 $0x1  }
0x17: {  	s4 =	simm.s32 $0x1BF5;
	[smem:$0x3FB5] =	sst s0  }
0x18: {  	s0 =	sld [smem:$0x3F98];
	_ =	swait.ge [sflag:s4], $0x0  }
0x19: {  	s7 =	sld [smem:$0x3F99]  }
0x1a: {  	s8 =	sadd.s32 $0xFFFFE003, lr  }
0x1b: {  	s9 =	sadd.s32 $0xFFFFFEF7, lr;
	s5 =	simm.s32 $0xFFFFFFFF;
	p2 =	slt.u32 s8, $0xFFFFF086  }
0x1c: {  	p1 =	slt.u32 s9, $0xF7A;
	s5 =	simm.s32 @!p2 $0x0  }
0x1d: {  	s5 =	simm.s32 @p1 $0x1;
	p0 =	seq.s32 s7, s2  }
0x1e: {  	s7 =	smul.u32 @!p0 $0xF7A, s2;
	p2 =	seq.s32 @!p0 s5, $0x0  }
0x1f: {  	s9 =	smul.u32 $0xF7A, s1;
	s8 =	simm.s32 @!p0 $0x1BF5;
	p2 =	por !p2, p0  }
0x20: {  	[sflag:s8] =	ssyncset.s32 @!p0 $0xFFFFF086;
	s6 =	sadd.s32 @!p0 s3, s7;
	s7 =	simm.s32 @!p0 $0x108  }
0x21: {  	s3 =	sadd.s32 s3, s9;
	s6 =	sadd.s32 @!p0 $0x88, s6;
	s7 =	simm.s32 @p2 $0x1082  }
0x22: {  	[simem:s7], [sflag:s8] =	dma.local @!p0 [hbm:s6], $0xF7A  }
0x23: {  	s9 =	sor.u32 $0xD0000000, s2;
	s6 =	simm.s32 $0x108;
	_ =	swait.ge @!p0 [sflag:s8], $0x0  }
0x24: {  	s3 =	sadd.s32 $0x88, s3;
	s6 =	simm.s32 @!p1 $0x1082;
	[sflag:s4] =	ssyncset.s32 $0xFFFFF086  }
0x25: {  	[simem:s6], [sflag:s4] =	dma.local [hbm:s3], $0xF7A  }
0x26: {  	[smem:$0x3F99] =	sst s1;
	(tag) =	ssettag s2;
	_ =	strace s9  }
0x27: {  	s1 =	sld [smem:$0x3FA9]  }
0x28: {  	s2 =	sld [smem:$0x3FAA]  }
0x29: {  	s4 =	sld [smem:$0x3FAC]  }
0x2a: {  	p0 =	seq.s32 s5, $0x0;
	s5 =	sld [smem:$0x3FAD]  }
0x2b: {  	s6 =	sld [smem:$0x3FAE]  }
0x2c: {  	s7 =	sld [smem:$0x3FAF]  }
0x2d: {  	s3 =	simm.s32 $0x108;
	s8 =	sld [smem:$0x3FB0]  }
0x2e: {  	s3 =	simm.s32 @!p0 $0x1082;
	s9 =	sld [smem:$0x3FB1]  }
0x2f: {  	lr =	sadd.s32 s0, s3;
	s0 =	sld [smem:$0x3FA8]  }
0x30: {  	s3 =	sld [smem:$0x3FAB]  }
0x31: {  	[smem:$0x3FB4] =	sst s10  }
0x32: {  	s10 =	sld [smem:$0x3FB2];
	_ =	sdelay $0x3  }
0x33: {  	p0 =	seq.s32 s10, $0x1;
	s10 =	sld [smem:$0x3FB4];
	_ =	sdelay $0x3  }
0x34: {  	[smem:$0x3FB4] =	sst s10  }
0x35: {  	s10 =	sld [smem:$0x3FB3];
	_ =	sdelay $0x3  }
0x36: {  	p1 =	seq.s32 s10, $0x1;
	s10 =	sld [smem:$0x3FB4];
	_ =	sdelay $0x3  }
0x37: {  	[smem:$0x3FB4] =	sst s10  }
0x38: {  	s10 =	sld [smem:$0x3FB5]  }
0x39: {  	_ = 	snop;
	(pc) =	sbr.ind lr, $3  }
0x3a: {  	_ = 	snop  }
0x3b: {  	_ = 	snop  }
0x3c: {  	p2 =	seq.s32 s10, $0x1;
	s10 =	sld [smem:$0x3FB4]  }
0x3d: {  	_ =	shalt  }
0x3e: {  	_ =	shalt  }
0x3f: {  	_ =	shalt  }
0x40: {  	_ =	shalt  }
0x41: {  	_ =	shalt  }
0x42: {  	_ =	shalt  }
0x43: {  	_ =	shalt  }
0x44: {  	_ =	shalt  }
0x45: {  	_ =	shalt  }
0x46: {  	_ =	shalt  }
0x47: {  	_ =	shalt  }
0x48: {  	_ =	shalt  }
0x49: {  	_ =	shalt  }
0x4a: {  	_ =	shalt  }
0x4b: {  	_ =	shalt  }
0x4c: {  	_ =	shalt  }
0x4d: {  	_ =	shalt  }
0x4e: {  	_ =	shalt  }
0x4f: {  	_ =	shalt  }
0x50: {  	_ =	shalt  }
0x51: {  	_ =	shalt  }
0x52: {  	_ =	shalt  }
0x53: {  	_ =	shalt  }
0x54: {  	_ =	shalt  }
0x55: {  	_ =	shalt  }
0x56: {  	_ =	shalt  }
0x57: {  	_ =	shalt  }
0x58: {  	_ =	shalt  }
0x59: {  	_ =	shalt  }
0x5a: {  	_ =	shalt  }
0x5b: {  	_ =	shalt  }
0x5c: {  	_ =	shalt  }
0x5d: {  	_ =	shalt  }
0x5e: {  	_ =	shalt  }
0x5f: {  	_ =	shalt  }
0x60: {  	_ =	shalt  }
0x61: {  	_ =	shalt  }
0x62: {  	_ =	shalt  }
0x63: {  	_ =	shalt  }
0x64: {  	_ =	shalt  }
0x65: {  	_ =	shalt  }
0x66: {  	_ =	shalt  }
0x67: {  	_ =	shalt  }
0x68: {  	_ =	shalt  }
0x69: {  	_ =	shalt  }
0x6a: {  	_ =	shalt  }
0x6b: {  	_ =	shalt  }
0x6c: {  	_ =	shalt  }
0x6d: {  	_ =	shalt  }
0x6e: {  	_ =	shalt  }
0x6f: {  	_ =	shalt  }
0x70: {  	_ =	shalt  }
0x71: {  	_ =	shalt  }
0x72: {  	_ =	shalt  }
0x73: {  	_ =	shalt  }
0x74: {  	_ =	shalt  }
0x75: {  	_ =	shalt  }
0x76: {  	_ =	shalt  }
0x77: {  	_ =	shalt  }
0x78: {  	_ =	shalt  }
0x79: {  	_ =	shalt  }
0x7a: {  	_ =	shalt  }
0x7b: {  	_ =	shalt  }
0x7c: {  	_ =	shalt  }
0x7d: {  	_ =	shalt  }
0x7e: {  	_ =	shalt  }
0x7f: {  	_ =	shalt  }
0x80: {  	_ =	shalt  }
0x81: {  	_ =	shalt  }
0x82: {  	_ =	shalt  }
0x83: {  	_ =	shalt  }
0x84: {  	_ =	shalt  }
0x85: {  	_ =	shalt  }
0x86: {  	_ =	shalt  }
0x87: {  	_ =	shalt  }
.Lfunc_end0:
.L_simem_size_0:
called_computation.1_lowered:
.L_overlay_start_0:
0x88: {  	s2 =	sld [smem:$0x3FD9]  }
0x89: {  	s3 =	sld [smem:$0x3FFE];
	_ =	sdelay $0x1  }
0x8a: {  	s1 =	srdreg.scid  }
0x8b: {  	s0 =	sand.u32 $0x1, s1  }
0x8c: {  	s17 =	sshll.u32 s0, $0xA;
	s2 =	sadd.s32 s3, s2  }
0x8d: {  	s2 =	sadd.s32 s2, s17  }
0x8e: {  	[smem:$0x3FC0] =	sst s2  }
0x8f: {  	_ = 	snop  }
0x90: {  	s18 =	sld [smem:$0x3FC9];
	(tm) =	ssettm $0x1  }
0x91: {  	s19 =	sld [smem:$0x3FFB];
	_ =	sdelay $0x3  }
0x92: {  	_ =	strace s19  }
0x93: {  	s2 =	sld [smem:$0x3FFC];
	_ =	sdelay $0x3  }
0x94: {  	_ =	strace s2  }
0x95: {  	s2 =	sld [smem:$0x3FFD];
	_ =	sdelay $0x3  }
0x96: {  	_ =	strace s2  }
0x97: {  	_ =	strace $0x8FFFFFFF  }
0x98: {  	s20 =	sld [smem:$0x3FDB];
	_ =	sdelay $0x1  }
0x99: {  	s4 =	simm.s32 $_scs_section_size  }
0x9a: {  	s5 =	simm.s32 $_size__tile_overlayer_lowered;
	s6 =	simm.s32 $_tile_overlayer_lowered  }
0x9b: {  	s7 =	simm.s32 $0x1BFF;
	s21 =	sshll.u32 s6, $0x1;
	s4 =	sadd.s32 s4, s20  }
0x9c: {  	s22 =	simm.s32 $0x0;
	s5 =	sshll.u32 s5, $0x1;
	s6 =	sadd.s32 s21, s4  }
0x9d: {  	[timem:s22], [sflag:s7] =	dma.local [hbm:s6], s5  }
0x9e: {  	_ =	swait.ge [sflag:s7], s5  }
0x9f: {  	s5 =	ssub.s32 $0x0, s5;
	[sflag:s7] =	ssyncset.done $0x0  }
0xa0: {  	[sflag:s7] =	ssyncadd.s32 s5;
	_ =	sdelay $0x1  }
0xa1: {  	s23 =	simm.s32 $0x1B8B  }
0xa2: {  	_ =	swait.ge [sflag:s23], $0x1  }
0xa3: {  	[sflag:s23] =	ssyncset.done $0x0  }
0xa4: {  	[sflag:s23] =	ssyncadd.s32 $0xFFFFFFFF  }
0xa5: {  	s5 =	sld [smem:$0x0]  }
0xa6: {  	s6 =	sand.u32 $0xFFFFFFFE, s1  }
0xa7: {  	p0 =	sne.s32 s1, s6  }
0xa8: {  	s6 =	sshll.u32 @p0 s6, $0xE  }
0xa9: {  	s6 =	sadd.s32 @p0 $0x11B8D, s6;
	s7 =	sshll.u32 @p0 s5, $0x11  }
0xaa: {  	s6 =	sor.u32 @p0 s7, s6  }
0xab: {  	[sflag:s6] =	ssyncadd.remote.s32 @p0 $0x1;
	_ =	sdelay $0x1  }
0xac: {  	s6 =	simm.s32 @p0 $0x1B8D  }
0xad: {  	_ =	swait.eq @p0 [sflag:s6], $0x1  }
0xae: {  	[sflag:s6] =	ssyncadd.s32 @p0 $0xFFFFFFFF  }
0xaf: {  	s7 =	sshll.u32 @!p0 s1, $0xE  }
0xb0: {  	s7 =	sor.u32 @!p0 $0x4000, s7;
	s6 =	simm.s32 @!p0 $0x1B8D  }
0xb1: {  	s5 =	sshll.u32 @!p0 s5, $0x11;
	s7 =	sadd.s32 @!p0 $0x11B8D, s7;
	_ =	swait.eq @!p0 [sflag:s6], $0x1  }
0xb2: {  	s5 =	sor.u32 @!p0 s5, s7;
	[sflag:s6] =	ssyncadd.s32 @!p0 $0xFFFFFFFF  }
0xb3: {  	s25 =	simm.s32 $0x1B8E;
	s24 =	sld [smem:$0x3FFE];
	[sflag:s5] =	ssyncadd.remote.s32 @!p0 $0x1  }
0xb4: {  	s26 =	simm.s32 $execute0_lowered;
	[smem:$0x3FD2] =	sst s25  }
0xb5: {  	s6 =	sshll.u32 s26, $0x1;
	_ =	strace $0x80000049;
	[dreg:$0x1] =	wrdreg $0xFFFFFFFF  }
0xb6: {  	s28 =	simm.s32 $_size_execute0_lowered;
	s4 =	sadd.s32 s4, s6;
	[dreg:$0x0] =	wrdreg $0x0  }
0xb7: {  	s6 =	sshll.u32 s28, $0x1;
	[dreg:$0x2] =	wrdreg s4  }
0xb8: {  	[dreg:$0x3] =	wrdreg s6  }
0xb9: {  	[dreg:$0x4] =	wrdreg $0xC0  }
0xba: {  	_ =	task [dreg:s22], $0x5FFFF  }
0xbb: {  	[dreg:$0x1] =	wrdreg $0xFFFFFFFF  }
0xbc: {  	[dreg:$0x0] =	wrdreg $0x60  }
0xbd: {  	[dreg:$0x2] =	wrdreg s18  }
0xbe: {  	[dreg:$0x3] =	wrdreg s24  }
0xbf: {  	[dreg:$0x4] =	wrdreg $0xA  }
0xc0: {  	_ =	task.clear_ibuf [dreg:s22], $0x5FFFF;
	_ =	strace $0x90000049  }
0xc1: {  	s29 =	simm.s32 $0xA;
	_ =	strace $0x8000004B  }
0xc2: {  	_ =	swait.ge [sflag:s29], $0x1  }
0xc3: {  	[sflag:s29] =	ssyncadd.s32 $0xFFFFFFFF  }
0xc4: {  	_ =	strace $0x9000004B  }
0xc5: {  	_ =	sfence  }
0xc6: {  	s30 =	sld [smem:$0x0];
	_ =	sdelay $0x2  }
0xc7: {  	s31 =	sshll.u32 s1, $0xD;
	s1 =	sshrl.u32 s1, $0x2  }
0xc8: {  	s4 =	sand.u32 $0x4000, s31;
	s1 =	sadd.s32 s1, s30  }
0xc9: {  	s0 =	sor.u32 s4, s0;
	s1 =	sshll.u32 s1, $0x11  }
0xca: {  	s0 =	sor.u32 s1, s0  }
0xcb: {  	s0 =	sadd.s32 $0x8F2B, s0  }
0xcc: {  	[sflag:s0] =	ssyncadd.remote.s32 $0x1  }
0xcd: {  	_ =	sfence.sel $0xFFFF  }
0xce: {  	[dreg:$0x0] =	wrdreg $0xFFFFFFFF;
	(pc) =	sbr.abs _section_cstart, $3  }
0xcf: {  	[dreg:$0x1] =	wrdreg $0xFFFFFFFF  }
0xd0: {  	_ =	task.clear_ibuf [dreg:s22], $0x2FFFF;
	_ =	strace $0x9FFFFFFF  }
0xd1: {  	(tm) =	ssettm $0x7FFFFFFF  }
tec
execute0_lowered:
.L_overlay_start_1:
0x0: {  	(tag) =	ssettag $0x1  }
0x1: {  	s1 =	srdreg.scid  }
0x2: {  	s2 =	rddreg [dreg:$0x0];
	s0 =	stileid.u32  }
0x3: {  	s11 =	rddreg [dreg:$0x1];
	s5 =	simm.s32 $0x2;
	s1 =	sshll.u32 s1, $0x9  }
0x4: {  	s9 =	simm.s32 $0x3;
	s3 =	sshll.u32 s0, $0xA;
	s4 =	sand.u32 $0x200, s1  }
0x5: {  	s13 =	simm.s32 $0x0;
	s15 =	simm.s32 $0x0;
	s3 =	sor.u32 s3, s4  }
0x6: {  	s14 =	simm.s32 $0x0;
	s1 =	rddreg [dreg:$0x2];
	s4 =	sshrl.u32 s3, $0x3  }
0x7: {  	_ =	strace $0x8000004A;
	s6 =	ssub.s32 $0x4000, s3;
	s8 =	sadd.s32 s4, s11  }
0x8: {  	s4 =	simm.s32 $0x1;
	s7 =	sand.u32 $0x3E00, s6;
	s10 =	sshrl.u32 s6, $0xE  }
.Ltmp0:
0x9: {  	s6 =	sadd.s32 $0x12400, s11;
	[sflag:s4] =	ssyncpa.u1 $0x0;
	(pc) =	sbr.rel .LBB2_1-.Ltmp0, $4  }
0xa: {  	p0 =	sne.s32 s7, $0x0;
	s7 =	simm.s32 $0x1;
	s8 =	sadd.s32 $0x11C00, s8  }
0xb: {  	[sflag:s5] =	ssyncpa.u1 $0x0;
	s7 =	simm.s32 @!p0 $0x0;
	p0 =	por $0x0, $0x0  }
0xc: {  	[sflag:s9] =	ssyncpa.u1 $0x0;
	s7 =	sadd.s32 s7, s10;
	s9 =	sadd.s32 $0x16400, s11  }
0xd: {  	vm0 =	vmmov $0xffff;
	s10 =	sadd.s32 $0x1A400, s11;
	s11 =	sadd.s32 $0x1E400, s11;
	s12 =	sadd.s32 $0x1, s7  }
.LBB2_4:
0xe: {  	_ =	sdelay $0x3  }
0xf: {  	[tilespmem:s21], [sflag:$0x1] =	stream.indirect_vreg.gather [hbm4b:s2+s13], $0x1, v0, vm0, $0x4038;
	[tilespmem:$0x8400] =	vst v63  }
0x10: {  	s18 =	sshll.u32 s15, $0x3  }
0x11: {  	s24 =	sand.u32 $0x78, s15;
	s18 =	sand.u32 $0x7FFFFC00, s18  }
0x12: {  	_ =	swait.ge [sflag:s4], $0x4000;
	s15 =	sor.u32 s24, s18  }
0x13: {  	[sflag:s4] =	ssyncset.done $0x0;
	s15 =	sshrl.u32 s15, $0x3  }
0x14: {  	[sflag:s4] =	ssyncadd.s32 $0xFFFFC000;
	s25 =	sadd.s32 s6, s15  }
0x15: {  	[hbm:s25] =	stream.linear.scatter [tilespmem:s17], [sflag:$0x3], $0x1000, $0x38;
	[tilespmem:$0x8400] =	vst v63  }
0x16: {  	s26 =	sadd.s32 $0x1400, s16;
	s28 =	sadd.s32 s15, s9  }
0x17: {  	[hbm:s28] =	stream.linear.scatter [tilespmem:s26], [sflag:$0x3], $0x1000, $0x38;
	[tilespmem:$0x8400] =	vst v63  }
0x18: {  	s29 =	sadd.s32 $0x2400, s16;
	s30 =	sadd.s32 s15, s10  }
0x19: {  	[hbm:s30] =	stream.linear.scatter [tilespmem:s29], [sflag:$0x3], $0x1000, $0x38;
	[tilespmem:$0x8400] =	vst v63  }
0x1a: {  	s31 =	sadd.s32 $0x3400, s16;
	s15 =	sadd.s32 s15, s11  }
0x1b: {  	[hbm:s15] =	stream.linear.scatter [tilespmem:s31], [sflag:$0x3], $0x1000, $0x38;
	[tilespmem:$0x8400] =	vst v63  }
.LBB2_5:
0x1c: {  	p2 =	sne.s32 s14, s12  }
.Ltmp1:
0x1d: {  	p1 =	slt.u32 s14, $0x2;
	(pc) =	sbr.rel @!p2 .LBB2_6-.Ltmp1, $4  }
0x1e: {  	s15 =	simm.s32 @!p1 $0x3  }
0x1f: {  	_ =	swait.ge @!p1 [sflag:s15], $0x4000  }
0x20: {  	s16 =	sadd.s32 $0x1, s14;
	p0 =	por !p0, !p0;
	[sflag:s15] =	ssyncset.done @!p1 $0x0  }
0x21: {  	s14 =	smov.u32 s16;
	[sflag:s15] =	ssyncadd.s32 @!p1 $0xFFFFC000;
	s15 =	smov.u32 s3  }
.LBB2_1:
0x22: {  	p1 =	sge.u32 s14, s7  }
0x23: {  	s16 =	sxor.u32 @!p1 $0xFFFFFFFF, s14  }
0x24: {  	s16 =	sshll.u32 @!p1 s16, $0x9  }
0x25: {  	s31 =	sadd.s32 $0xFFFFFFFF, s14;
	s17 =	simm.s32 @!p1 $0x0;
	s16 =	sand.u32 @!p1 $0x200, s16  }
0x26: {  	[tilespmem:s16], [sflag:$0x2] =	stream.linear.gather @!p1 [hbm4b:s8+s17], $0x200, $0x38;
	[tilespmem:$0x8400] =	vst v63  }
0x27: {  	p1 =	sge.u32 s31, s7  }
.Ltmp2:
0x28: {  	_ = 	snop;
	(pc) =	sbr.rel @p1 .LBB2_5-.Ltmp2, $1  }
0x29: {  	_ =	sdelay $0x3  }
0x2a: {  	s16 =	simm.s32 $0x1;
	_ =	swait.ge [sflag:s5], $0x200  }
0x2b: {  	s16 =	simm.s32 @!p0 $0x0;
	[sflag:s5] =	ssyncset.done $0x0  }
0x2c: {  	s19 =	sshll.u32 s16, $0x9;
	[sflag:s5] =	ssyncadd.s32 $0xFFFFFE00  }
0x2d: {  	v0 =	vld.msk [tilespmem:s19+$0x0 ss:$0x1], $0xffff;
	_ =	sdelay $0x4  }
0x2e: {  	vm1 =	vgt.s32 v0, $0x0  }
0x2f: {  	v0 =	vnsel vm1, $0x0, v0  }
0x30: {  	v0 =	vmin.u32 v0, $0xF423F  }
0x31: {  	v1 =	vshll.u32 v0, $0x3  }
0x32: {  	v0 =	vand.u32 $0x7F, v0;
	v1 =	vand.u32 $0x7FFC00, v1  }
0x33: {  	s22 =	sshll.u32 s14, $0xE;
	v0 =	vor.u32 v0, v1  }
0x34: {  	s18 =	simm.s32 $0x0;
	s16 =	sand.u32 $0x4000, s22  }
0x35: {  	s20 =	sand.u32 $0xC00, s18;
	s17 =	sor.u32 $0x400, s16  }
0x36: {  	s21 =	sand.u32 $0x70, s18;
	(ifvalue) =	ssetifvalue $0x7FFFFFFF;
	s20 =	sadd.s32 s20, s17;
	v1 =	vor.u32 $0x80, v0  }
0x37: {  	(ifvalue) =	ssetifvalue $0x7FFFFFFF;
	s20 =	sadd.s32 s21, s20  }
0x38: {  	[tilespmem:s20], [sflag:$0x1] =	stream.indirect_vreg.gather [hbm4b:s2+s13], $0x1, v0, vm0, $0x4038;
	[tilespmem:$0x8400] =	vst v63  }
0x39: {  	v2 =	vor.u32 $0x100, v0;
	(ifvalue) =	ssetifvalue $0x7FFFFFFF  }
0x3a: {  	s21 =	sadd.s32 $0x80, s20;
	(ifvalue) =	ssetifvalue $0x7FFFFFFF  }
0x3b: {  	[tilespmem:s21], [sflag:$0x1] =	stream.indirect_vreg.gather [hbm4b:s2+s13], $0x1, v1, vm0, $0x4038;
	[tilespmem:$0x8400] =	vst v63  }
0x3c: {  	v1 =	vor.u32 $0x180, v0;
	(ifvalue) =	ssetifvalue $0x7FFFFFFF  }
0x3d: {  	s23 =	sadd.s32 $0x100, s20;
	(ifvalue) =	ssetifvalue $0x7FFFFFFF  }
0x3e: {  	[tilespmem:s23], [sflag:$0x1] =	stream.indirect_vreg.gather [hbm4b:s2+s13], $0x1, v2, vm0, $0x4038;
	[tilespmem:$0x8400] =	vst v63  }
0x3f: {  	v2 =	vor.u32 $0x200, v0;
	(ifvalue) =	ssetifvalue $0x7FFFFFFF  }
0x40: {  	s24 =	sadd.s32 $0x180, s20;
	(ifvalue) =	ssetifvalue $0x7FFFFFFF  }
0x41: {  	[tilespmem:s24], [sflag:$0x1] =	stream.indirect_vreg.gather [hbm4b:s2+s13], $0x1, v1, vm0, $0x4038;
	[tilespmem:$0x8400] =	vst v63  }
0x42: {  	(ifvalue) =	ssetifvalue $0x7FFFFFFF;
	v1 =	vor.u32 $0x280, v0  }
0x43: {  	s25 =	sadd.s32 $0x200, s20;
	(ifvalue) =	ssetifvalue $0x7FFFFFFF  }
0x44: {  	[tilespmem:s25], [sflag:$0x1] =	stream.indirect_vreg.gather [hbm4b:s2+s13], $0x1, v2, vm0, $0x4038;
	[tilespmem:$0x8400] =	vst v63  }
0x45: {  	(ifvalue) =	ssetifvalue $0x7FFFFFFF;
	v2 =	vor.u32 $0x300, v0  }
0x46: {  	s26 =	sadd.s32 $0x280, s20;
	(ifvalue) =	ssetifvalue $0x7FFFFFFF  }
0x47: {  	[tilespmem:s26], [sflag:$0x1] =	stream.indirect_vreg.gather [hbm4b:s2+s13], $0x1, v1, vm0, $0x4038;
	[tilespmem:$0x8400] =	vst v63  }
0x48: {  	(ifvalue) =	ssetifvalue $0x7FFFFFFF;
	v1 =	vor.u32 $0x380, v0  }
0x49: {  	s18 =	sor.u32 s18, s18;
	s28 =	sadd.s32 $0x300, s20;
	(ifvalue) =	ssetifvalue $0x7FFFFFFF  }
0x4a: {  	[tilespmem:s28], [sflag:$0x1] =	stream.indirect_vreg.gather [hbm4b:s2+s13], $0x1, v2, vm0, $0x4038;
	[tilespmem:$0x8400] =	vst v63  }
0x4b: {  	s18 =	sor.u32 $0x380, s18;
	(ifvalue) =	ssetifvalue $0x7FFFFFFF;
	v2 =	vadd.s32 $0x7A1400, v0  }
0x4c: {  	s18 =	sadd.s32 s18, s17;
	(ifvalue) =	ssetifvalue $0x7FFFFFFF  }
0x4d: {  	[tilespmem:s18], [sflag:$0x1] =	stream.indirect_vreg.gather [hbm4b:s2+s13], $0x1, v1, vm0, $0x4038;
	[tilespmem:$0x8400] =	vst v63  }
0x4e: {  	(ifvalue) =	ssetifvalue $0x7FFFFFFF;
	v1 =	vadd.s32 $0x7A1480, v0  }
0x4f: {  	s29 =	sadd.s32 $0x1000, s20;
	(ifvalue) =	ssetifvalue $0x7FFFFFFF  }
0x50: {  	[tilespmem:s29], [sflag:$0x1] =	stream.indirect_vreg.gather [hbm4b:s2+s13], $0x1, v2, vm0, $0x4038;
	[tilespmem:$0x8400] =	vst v63  }
0x51: {  	(ifvalue) =	ssetifvalue $0x7FFFFFFF;
	v2 =	vadd.s32 $0x7A1500, v0  }
0x52: {  	s30 =	sadd.s32 $0x1080, s20;
	(ifvalue) =	ssetifvalue $0x7FFFFFFF  }
0x53: {  	[tilespmem:s30], [sflag:$0x1] =	stream.indirect_vreg.gather [hbm4b:s2+s13], $0x1, v1, vm0, $0x4038;
	[tilespmem:$0x8400] =	vst v63  }
0x54: {  	(ifvalue) =	ssetifvalue $0x7FFFFFFF;
	v1 =	vadd.s32 $0x7A1580, v0  }
0x55: {  	s31 =	sadd.s32 $0x1100, s20;
	(ifvalue) =	ssetifvalue $0x7FFFFFFF  }
0x56: {  	[tilespmem:s31], [sflag:$0x1] =	stream.indirect_vreg.gather [hbm4b:s2+s13], $0x1, v2, vm0, $0x4038;
	[tilespmem:$0x8400] =	vst v63  }
0x57: {  	(ifvalue) =	ssetifvalue $0x7FFFFFFF;
	v2 =	vadd.s32 $0x7A1600, v0  }
0x58: {  	s21 =	sadd.s32 $0x1180, s20;
	(ifvalue) =	ssetifvalue $0x7FFFFFFF  }
0x59: {  	[tilespmem:s21], [sflag:$0x1] =	stream.indirect_vreg.gather [hbm4b:s2+s13], $0x1, v1, vm0, $0x4038;
	[tilespmem:$0x8400] =	vst v63  }
0x5a: {  	(ifvalue) =	ssetifvalue $0x7FFFFFFF;
	v1 =	vadd.s32 $0x7A1680, v0  }
0x5b: {  	s22 =	sadd.s32 $0x1200, s20;
	(ifvalue) =	ssetifvalue $0x7FFFFFFF  }
0x5c: {  	[tilespmem:s22], [sflag:$0x1] =	stream.indirect_vreg.gather [hbm4b:s2+s13], $0x1, v2, vm0, $0x4038;
	[tilespmem:$0x8400] =	vst v63  }
0x5d: {  	(ifvalue) =	ssetifvalue $0x7FFFFFFF;
	v2 =	vadd.s32 $0x7A1700, v0  }
0x5e: {  	s23 =	sadd.s32 $0x1280, s20;
	(ifvalue) =	ssetifvalue $0x7FFFFFFF  }
0x5f: {  	[tilespmem:s23], [sflag:$0x1] =	stream.indirect_vreg.gather [hbm4b:s2+s13], $0x1, v1, vm0, $0x4038;
	[tilespmem:$0x8400] =	vst v63  }
0x60: {  	(ifvalue) =	ssetifvalue $0x7FFFFFFF;
	v1 =	vadd.s32 $0x7A1780, v0  }
0x61: {  	s24 =	sadd.s32 $0x1300, s20;
	(ifvalue) =	ssetifvalue $0x7FFFFFFF  }
0x62: {  	[tilespmem:s24], [sflag:$0x1] =	stream.indirect_vreg.gather [hbm4b:s2+s13], $0x1, v2, vm0, $0x4038;
	[tilespmem:$0x8400] =	vst v63  }
0x63: {  	(ifvalue) =	ssetifvalue $0x7FFFFFFF;
	v2 =	vadd.s32 $0xF42800, v0  }
0x64: {  	s25 =	sadd.s32 $0x1380, s20;
	(ifvalue) =	ssetifvalue $0x7FFFFFFF  }
0x65: {  	[tilespmem:s25], [sflag:$0x1] =	stream.indirect_vreg.gather [hbm4b:s2+s13], $0x1, v1, vm0, $0x4038;
	[tilespmem:$0x8400] =	vst v63  }
0x66: {  	(ifvalue) =	ssetifvalue $0x7FFFFFFF;
	v1 =	vadd.s32 $0xF42880, v0  }
0x67: {  	s26 =	sadd.s32 $0x2000, s20;
	(ifvalue) =	ssetifvalue $0x7FFFFFFF  }
0x68: {  	[tilespmem:s26], [sflag:$0x1] =	stream.indirect_vreg.gather [hbm4b:s2+s13], $0x1, v2, vm0, $0x4038;
	[tilespmem:$0x8400] =	vst v63  }
0x69: {  	(ifvalue) =	ssetifvalue $0x7FFFFFFF;
	v2 =	vadd.s32 $0xF42900, v0  }
0x6a: {  	s28 =	sadd.s32 $0x2080, s20;
	(ifvalue) =	ssetifvalue $0x7FFFFFFF  }
0x6b: {  	[tilespmem:s28], [sflag:$0x1] =	stream.indirect_vreg.gather [hbm4b:s2+s13], $0x1, v1, vm0, $0x4038;
	[tilespmem:$0x8400] =	vst v63  }
0x6c: {  	(ifvalue) =	ssetifvalue $0x7FFFFFFF;
	v1 =	vadd.s32 $0xF42980, v0  }
0x6d: {  	s29 =	sadd.s32 $0x2100, s20;
	(ifvalue) =	ssetifvalue $0x7FFFFFFF  }
0x6e: {  	[tilespmem:s29], [sflag:$0x1] =	stream.indirect_vreg.gather [hbm4b:s2+s13], $0x1, v2, vm0, $0x4038;
	[tilespmem:$0x8400] =	vst v63  }
0x6f: {  	(ifvalue) =	ssetifvalue $0x7FFFFFFF;
	v2 =	vadd.s32 $0xF42A00, v0  }
0x70: {  	s30 =	sadd.s32 $0x2180, s20;
	(ifvalue) =	ssetifvalue $0x7FFFFFFF  }
0x71: {  	[tilespmem:s30], [sflag:$0x1] =	stream.indirect_vreg.gather [hbm4b:s2+s13], $0x1, v1, vm0, $0x4038;
	[tilespmem:$0x8400] =	vst v63  }
0x72: {  	(ifvalue) =	ssetifvalue $0x7FFFFFFF;
	v1 =	vadd.s32 $0xF42A80, v0  }
0x73: {  	s31 =	sadd.s32 $0x2200, s20;
	(ifvalue) =	ssetifvalue $0x7FFFFFFF  }
0x74: {  	[tilespmem:s31], [sflag:$0x1] =	stream.indirect_vreg.gather [hbm4b:s2+s13], $0x1, v2, vm0, $0x4038;
	[tilespmem:$0x8400] =	vst v63  }
0x75: {  	(ifvalue) =	ssetifvalue $0x7FFFFFFF;
	v2 =	vadd.s32 $0xF42B00, v0  }
0x76: {  	s21 =	sadd.s32 $0x2280, s20;
	(ifvalue) =	ssetifvalue $0x7FFFFFFF  }
0x77: {  	[tilespmem:s21], [sflag:$0x1] =	stream.indirect_vreg.gather [hbm4b:s2+s13], $0x1, v1, vm0, $0x4038;
	[tilespmem:$0x8400] =	vst v63  }
0x78: {  	(ifvalue) =	ssetifvalue $0x7FFFFFFF;
	v1 =	vadd.s32 $0xF42B80, v0  }
0x79: {  	s22 =	sadd.s32 $0x2300, s20;
	(ifvalue) =	ssetifvalue $0x7FFFFFFF  }
0x7a: {  	[tilespmem:s22], [sflag:$0x1] =	stream.indirect_vreg.gather [hbm4b:s2+s13], $0x1, v2, vm0, $0x4038;
	[tilespmem:$0x8400] =	vst v63  }
0x7b: {  	(ifvalue) =	ssetifvalue $0x7FFFFFFF;
	v2 =	vadd.s32 $0x16E3C00, v0  }
0x7c: {  	s23 =	sadd.s32 $0x2380, s20;
	(ifvalue) =	ssetifvalue $0x7FFFFFFF  }
0x7d: {  	[tilespmem:s23], [sflag:$0x1] =	stream.indirect_vreg.gather [hbm4b:s2+s13], $0x1, v1, vm0, $0x4038;
	[tilespmem:$0x8400] =	vst v63  }
0x7e: {  	(ifvalue) =	ssetifvalue $0x7FFFFFFF;
	v1 =	vadd.s32 $0x16E3C80, v0  }
0x7f: {  	s24 =	sadd.s32 $0x3000, s20;
	(ifvalue) =	ssetifvalue $0x7FFFFFFF  }
0x80: {  	[tilespmem:s24], [sflag:$0x1] =	stream.indirect_vreg.gather [hbm4b:s2+s13], $0x1, v2, vm0, $0x4038;
	[tilespmem:$0x8400] =	vst v63  }
0x81: {  	(ifvalue) =	ssetifvalue $0x7FFFFFFF;
	v2 =	vadd.s32 $0x16E3D00, v0  }
0x82: {  	s25 =	sadd.s32 $0x3080, s20;
	(ifvalue) =	ssetifvalue $0x7FFFFFFF  }
0x83: {  	[tilespmem:s25], [sflag:$0x1] =	stream.indirect_vreg.gather [hbm4b:s2+s13], $0x1, v1, vm0, $0x4038;
	[tilespmem:$0x8400] =	vst v63  }
0x84: {  	(ifvalue) =	ssetifvalue $0x7FFFFFFF;
	v1 =	vadd.s32 $0x16E3D80, v0  }
0x85: {  	s26 =	sadd.s32 $0x3100, s20;
	(ifvalue) =	ssetifvalue $0x7FFFFFFF  }
0x86: {  	[tilespmem:s26], [sflag:$0x1] =	stream.indirect_vreg.gather [hbm4b:s2+s13], $0x1, v2, vm0, $0x4038;
	[tilespmem:$0x8400] =	vst v63  }
0x87: {  	(ifvalue) =	ssetifvalue $0x7FFFFFFF;
	v2 =	vadd.s32 $0x16E3E00, v0  }
0x88: {  	s28 =	sadd.s32 $0x3180, s20;
	(ifvalue) =	ssetifvalue $0x7FFFFFFF  }
0x89: {  	[tilespmem:s28], [sflag:$0x1] =	stream.indirect_vreg.gather [hbm4b:s2+s13], $0x1, v1, vm0, $0x4038;
	[tilespmem:$0x8400] =	vst v63  }
0x8a: {  	(ifvalue) =	ssetifvalue $0x7FFFFFFF;
	v1 =	vadd.s32 $0x16E3E80, v0  }
0x8b: {  	s29 =	sadd.s32 $0x3200, s20;
	(ifvalue) =	ssetifvalue $0x7FFFFFFF  }
0x8c: {  	[tilespmem:s29], [sflag:$0x1] =	stream.indirect_vreg.gather [hbm4b:s2+s13], $0x1, v2, vm0, $0x4038;
	[tilespmem:$0x8400] =	vst v63  }
0x8d: {  	(ifvalue) =	ssetifvalue $0x7FFFFFFF;
	v2 =	vadd.s32 $0x16E3F00, v0  }
0x8e: {  	s30 =	sadd.s32 $0x3280, s20;
	(ifvalue) =	ssetifvalue $0x7FFFFFFF  }
0x8f: {  	[tilespmem:s30], [sflag:$0x1] =	stream.indirect_vreg.gather [hbm4b:s2+s13], $0x1, v1, vm0, $0x4038;
	[tilespmem:$0x8400] =	vst v63  }
0x90: {  	v0 =	vadd.s32 $0x16E3F80, v0;
	(ifvalue) =	ssetifvalue $0x7FFFFFFF  }
0x91: {  	s31 =	sadd.s32 $0x3300, s20;
	(ifvalue) =	ssetifvalue $0x7FFFFFFF  }
0x92: {  	[tilespmem:s31], [sflag:$0x1] =	stream.indirect_vreg.gather [hbm4b:s2+s13], $0x1, v2, vm0, $0x4038;
	[tilespmem:$0x8400] =	vst v63  }
0x93: {  	s19 =	sadd.s32 $0x10, s19;
	s18 =	simm.s32 $0x10;
	(ifvalue) =	ssetifvalue $0x7FFFFFFF  }
0x94: {  	s21 =	sadd.s32 $0x3380, s20;
	s20 =	simm.s32 $0x80;
	(ifvalue) =	ssetifvalue $0x7FFFFFFF  }
.LBB2_3:
0x95: {  	[tilespmem:s21], [sflag:$0x1] =	stream.indirect_vreg.gather [hbm4b:s2+s13], $0x1, v0, vm0, $0x4038;
	[tilespmem:$0x8400] =	vst v63  }
0x96: {  	p1 =	sne.s32 s18, $0x1F0;
	s22 =	smov.u32 s18;
	s18 =	sadd.s32 $0x10, s18;
	v0 =	vld.msk [tilespmem:s19+$0x0 ss:$0x1], $0xffff  }
0x97: {  	(ifvalue) =	ssetifvalue $0x7FFFFFFF;
	_ =	sdelay $0x4  }
0x98: {  	vm1 =	vgt.s32 v0, $0x0  }
0x99: {  	v0 =	vnsel vm1, $0x0, v0  }
0x9a: {  	v0 =	vmin.u32 v0, $0xF423F  }
0x9b: {  	v1 =	vshll.u32 v0, $0x3  }
0x9c: {  	v0 =	vand.u32 $0x7F, v0;
	v1 =	vand.u32 $0x7FFC00, v1  }
0x9d: {  	v0 =	vor.u32 v0, v1;
	_ =	sdelay $0x1  }
0x9e: {  	s21 =	sand.u32 $0xC00, s20  }
0x9f: {  	s23 =	sand.u32 $0x70, s22;
	s21 =	sadd.s32 s21, s17;
	v1 =	vor.u32 $0x80, v0  }
0xa0: {  	s21 =	sadd.s32 s23, s21;
	(ifvalue) =	ssetifvalue $0x7FFFFFFF  }
0xa1: {  	[tilespmem:s21], [sflag:$0x1] =	stream.indirect_vreg.gather [hbm4b:s2+s13], $0x1, v0, vm0, $0x4038;
	[tilespmem:$0x8400] =	vst v63  }
0xa2: {  	v2 =	vor.u32 $0x100, v0;
	(ifvalue) =	ssetifvalue $0x7FFFFFFF  }
0xa3: {  	s23 =	sadd.s32 $0x80, s21;
	(ifvalue) =	ssetifvalue $0x7FFFFFFF  }
0xa4: {  	[tilespmem:s23], [sflag:$0x1] =	stream.indirect_vreg.gather [hbm4b:s2+s13], $0x1, v1, vm0, $0x4038;
	[tilespmem:$0x8400] =	vst v63  }
0xa5: {  	v1 =	vor.u32 $0x180, v0;
	(ifvalue) =	ssetifvalue $0x7FFFFFFF  }
0xa6: {  	s23 =	sadd.s32 $0x100, s21;
	(ifvalue) =	ssetifvalue $0x7FFFFFFF  }
0xa7: {  	[tilespmem:s23], [sflag:$0x1] =	stream.indirect_vreg.gather [hbm4b:s2+s13], $0x1, v2, vm0, $0x4038;
	[tilespmem:$0x8400] =	vst v63  }
0xa8: {  	v2 =	vor.u32 $0x200, v0;
	(ifvalue) =	ssetifvalue $0x7FFFFFFF  }
0xa9: {  	s23 =	sadd.s32 $0x180, s21;
	(ifvalue) =	ssetifvalue $0x7FFFFFFF  }
0xaa: {  	[tilespmem:s23], [sflag:$0x1] =	stream.indirect_vreg.gather [hbm4b:s2+s13], $0x1, v1, vm0, $0x4038;
	[tilespmem:$0x8400] =	vst v63  }
0xab: {  	v1 =	vor.u32 $0x280, v0;
	(ifvalue) =	ssetifvalue $0x7FFFFFFF  }
0xac: {  	s23 =	sadd.s32 $0x200, s21;
	(ifvalue) =	ssetifvalue $0x7FFFFFFF  }
0xad: {  	[tilespmem:s23], [sflag:$0x1] =	stream.indirect_vreg.gather [hbm4b:s2+s13], $0x1, v2, vm0, $0x4038;
	[tilespmem:$0x8400] =	vst v63  }
0xae: {  	v2 =	vor.u32 $0x300, v0;
	(ifvalue) =	ssetifvalue $0x7FFFFFFF  }
0xaf: {  	s23 =	sadd.s32 $0x280, s21;
	(ifvalue) =	ssetifvalue $0x7FFFFFFF  }
0xb0: {  	[tilespmem:s23], [sflag:$0x1] =	stream.indirect_vreg.gather [hbm4b:s2+s13], $0x1, v1, vm0, $0x4038;
	[tilespmem:$0x8400] =	vst v63  }
0xb1: {  	v1 =	vor.u32 $0x380, v0;
	(ifvalue) =	ssetifvalue $0x7FFFFFFF  }
0xb2: {  	s22 =	sor.u32 s20, s22;
	s23 =	sadd.s32 $0x300, s21;
	(ifvalue) =	ssetifvalue $0x7FFFFFFF  }
0xb3: {  	[tilespmem:s23], [sflag:$0x1] =	stream.indirect_vreg.gather [hbm4b:s2+s13], $0x1, v2, vm0, $0x4038;
	[tilespmem:$0x8400] =	vst v63  }
0xb4: {  	s22 =	sor.u32 $0x380, s22;
	v2 =	vadd.s32 $0x7A1400, v0;
	(ifvalue) =	ssetifvalue $0x7FFFFFFF  }
0xb5: {  	s22 =	sadd.s32 s22, s17;
	(ifvalue) =	ssetifvalue $0x7FFFFFFF  }
0xb6: {  	[tilespmem:s22], [sflag:$0x1] =	stream.indirect_vreg.gather [hbm4b:s2+s13], $0x1, v1, vm0, $0x4038;
	[tilespmem:$0x8400] =	vst v63  }
0xb7: {  	v1 =	vadd.s32 $0x7A1480, v0;
	(ifvalue) =	ssetifvalue $0x7FFFFFFF  }
0xb8: {  	s22 =	sadd.s32 $0x1000, s21;
	(ifvalue) =	ssetifvalue $0x7FFFFFFF  }
0xb9: {  	[tilespmem:s22], [sflag:$0x1] =	stream.indirect_vreg.gather [hbm4b:s2+s13], $0x1, v2, vm0, $0x4038;
	[tilespmem:$0x8400] =	vst v63  }
0xba: {  	v2 =	vadd.s32 $0x7A1500, v0;
	(ifvalue) =	ssetifvalue $0x7FFFFFFF  }
0xbb: {  	s22 =	sadd.s32 $0x1080, s21;
	(ifvalue) =	ssetifvalue $0x7FFFFFFF  }
0xbc: {  	[tilespmem:s22], [sflag:$0x1] =	stream.indirect_vreg.gather [hbm4b:s2+s13], $0x1, v1, vm0, $0x4038;
	[tilespmem:$0x8400] =	vst v63  }
0xbd: {  	v1 =	vadd.s32 $0x7A1580, v0;
	(ifvalue) =	ssetifvalue $0x7FFFFFFF  }
0xbe: {  	s22 =	sadd.s32 $0x1100, s21;
	(ifvalue) =	ssetifvalue $0x7FFFFFFF  }
0xbf: {  	[tilespmem:s22], [sflag:$0x1] =	stream.indirect_vreg.gather [hbm4b:s2+s13], $0x1, v2, vm0, $0x4038;
	[tilespmem:$0x8400] =	vst v63  }
0xc0: {  	v2 =	vadd.s32 $0x7A1600, v0;
	(ifvalue) =	ssetifvalue $0x7FFFFFFF  }
0xc1: {  	s22 =	sadd.s32 $0x1180, s21;
	(ifvalue) =	ssetifvalue $0x7FFFFFFF  }
0xc2: {  	[tilespmem:s22], [sflag:$0x1] =	stream.indirect_vreg.gather [hbm4b:s2+s13], $0x1, v1, vm0, $0x4038;
	[tilespmem:$0x8400] =	vst v63  }
0xc3: {  	v1 =	vadd.s32 $0x7A1680, v0;
	(ifvalue) =	ssetifvalue $0x7FFFFFFF  }
0xc4: {  	s22 =	sadd.s32 $0x1200, s21;
	(ifvalue) =	ssetifvalue $0x7FFFFFFF  }
0xc5: {  	[tilespmem:s22], [sflag:$0x1] =	stream.indirect_vreg.gather [hbm4b:s2+s13], $0x1, v2, vm0, $0x4038;
	[tilespmem:$0x8400] =	vst v63  }
0xc6: {  	v2 =	vadd.s32 $0x7A1700, v0;
	(ifvalue) =	ssetifvalue $0x7FFFFFFF  }
0xc7: {  	s22 =	sadd.s32 $0x1280, s21;
	(ifvalue) =	ssetifvalue $0x7FFFFFFF  }
0xc8: {  	[tilespmem:s22], [sflag:$0x1] =	stream.indirect_vreg.gather [hbm4b:s2+s13], $0x1, v1, vm0, $0x4038;
	[tilespmem:$0x8400] =	vst v63  }
0xc9: {  	v1 =	vadd.s32 $0x7A1780, v0;
	(ifvalue) =	ssetifvalue $0x7FFFFFFF  }
0xca: {  	s22 =	sadd.s32 $0x1300, s21;
	(ifvalue) =	ssetifvalue $0x7FFFFFFF  }
0xcb: {  	[tilespmem:s22], [sflag:$0x1] =	stream.indirect_vreg.gather [hbm4b:s2+s13], $0x1, v2, vm0, $0x4038;
	[tilespmem:$0x8400] =	vst v63  }
0xcc: {  	v2 =	vadd.s32 $0xF42800, v0;
	(ifvalue) =	ssetifvalue $0x7FFFFFFF  }
0xcd: {  	s22 =	sadd.s32 $0x1380, s21;
	(ifvalue) =	ssetifvalue $0x7FFFFFFF  }
0xce: {  	[tilespmem:s22], [sflag:$0x1] =	stream.indirect_vreg.gather [hbm4b:s2+s13], $0x1, v1, vm0, $0x4038;
	[tilespmem:$0x8400] =	vst v63  }
0xcf: {  	v1 =	vadd.s32 $0xF42880, v0;
	(ifvalue) =	ssetifvalue $0x7FFFFFFF  }
0xd0: {  	s22 =	sadd.s32 $0x2000, s21;
	(ifvalue) =	ssetifvalue $0x7FFFFFFF  }
0xd1: {  	[tilespmem:s22], [sflag:$0x1] =	stream.indirect_vreg.gather [hbm4b:s2+s13], $0x1, v2, vm0, $0x4038;
	[tilespmem:$0x8400] =	vst v63  }
0xd2: {  	v2 =	vadd.s32 $0xF42900, v0;
	(ifvalue) =	ssetifvalue $0x7FFFFFFF  }
0xd3: {  	s22 =	sadd.s32 $0x2080, s21;
	(ifvalue) =	ssetifvalue $0x7FFFFFFF  }
0xd4: {  	[tilespmem:s22], [sflag:$0x1] =	stream.indirect_vreg.gather [hbm4b:s2+s13], $0x1, v1, vm0, $0x4038;
	[tilespmem:$0x8400] =	vst v63  }
0xd5: {  	v1 =	vadd.s32 $0xF42980, v0;
	(ifvalue) =	ssetifvalue $0x7FFFFFFF  }
0xd6: {  	s22 =	sadd.s32 $0x2100, s21;
	(ifvalue) =	ssetifvalue $0x7FFFFFFF  }
0xd7: {  	[tilespmem:s22], [sflag:$0x1] =	stream.indirect_vreg.gather [hbm4b:s2+s13], $0x1, v2, vm0, $0x4038;
	[tilespmem:$0x8400] =	vst v63  }
0xd8: {  	v2 =	vadd.s32 $0xF42A00, v0;
	(ifvalue) =	ssetifvalue $0x7FFFFFFF  }
0xd9: {  	s22 =	sadd.s32 $0x2180, s21;
	(ifvalue) =	ssetifvalue $0x7FFFFFFF  }
0xda: {  	[tilespmem:s22], [sflag:$0x1] =	stream.indirect_vreg.gather [hbm4b:s2+s13], $0x1, v1, vm0, $0x4038;
	[tilespmem:$0x8400] =	vst v63  }
0xdb: {  	v1 =	vadd.s32 $0xF42A80, v0;
	(ifvalue) =	ssetifvalue $0x7FFFFFFF  }
0xdc: {  	s22 =	sadd.s32 $0x2200, s21;
	(ifvalue) =	ssetifvalue $0x7FFFFFFF  }
0xdd: {  	[tilespmem:s22], [sflag:$0x1] =	stream.indirect_vreg.gather [hbm4b:s2+s13], $0x1, v2, vm0, $0x4038;
	[tilespmem:$0x8400] =	vst v63  }
0xde: {  	v2 =	vadd.s32 $0xF42B00, v0;
	(ifvalue) =	ssetifvalue $0x7FFFFFFF  }
0xdf: {  	s22 =	sadd.s32 $0x2280, s21;
	(ifvalue) =	ssetifvalue $0x7FFFFFFF  }
0xe0: {  	[tilespmem:s22], [sflag:$0x1] =	stream.indirect_vreg.gather [hbm4b:s2+s13], $0x1, v1, vm0, $0x4038;
	[tilespmem:$0x8400] =	vst v63  }
0xe1: {  	v1 =	vadd.s32 $0xF42B80, v0;
	(ifvalue) =	ssetifvalue $0x7FFFFFFF  }
0xe2: {  	s22 =	sadd.s32 $0x2300, s21;
	(ifvalue) =	ssetifvalue $0x7FFFFFFF  }
0xe3: {  	[tilespmem:s22], [sflag:$0x1] =	stream.indirect_vreg.gather [hbm4b:s2+s13], $0x1, v2, vm0, $0x4038;
	[tilespmem:$0x8400] =	vst v63  }
0xe4: {  	v2 =	vadd.s32 $0x16E3C00, v0;
	(ifvalue) =	ssetifvalue $0x7FFFFFFF  }
0xe5: {  	s22 =	sadd.s32 $0x2380, s21;
	(ifvalue) =	ssetifvalue $0x7FFFFFFF  }
0xe6: {  	[tilespmem:s22], [sflag:$0x1] =	stream.indirect_vreg.gather [hbm4b:s2+s13], $0x1, v1, vm0, $0x4038;
	[tilespmem:$0x8400] =	vst v63  }
0xe7: {  	v1 =	vadd.s32 $0x16E3C80, v0;
	(ifvalue) =	ssetifvalue $0x7FFFFFFF  }
0xe8: {  	s22 =	sadd.s32 $0x3000, s21;
	(ifvalue) =	ssetifvalue $0x7FFFFFFF  }
0xe9: {  	[tilespmem:s22], [sflag:$0x1] =	stream.indirect_vreg.gather [hbm4b:s2+s13], $0x1, v2, vm0, $0x4038;
	[tilespmem:$0x8400] =	vst v63  }
0xea: {  	v2 =	vadd.s32 $0x16E3D00, v0;
	(ifvalue) =	ssetifvalue $0x7FFFFFFF  }
0xeb: {  	s22 =	sadd.s32 $0x3080, s21;
	(ifvalue) =	ssetifvalue $0x7FFFFFFF  }
0xec: {  	[tilespmem:s22], [sflag:$0x1] =	stream.indirect_vreg.gather [hbm4b:s2+s13], $0x1, v1, vm0, $0x4038;
	[tilespmem:$0x8400] =	vst v63  }
0xed: {  	v1 =	vadd.s32 $0x16E3D80, v0;
	(ifvalue) =	ssetifvalue $0x7FFFFFFF  }
0xee: {  	s22 =	sadd.s32 $0x3100, s21;
	(ifvalue) =	ssetifvalue $0x7FFFFFFF  }
0xef: {  	[tilespmem:s22], [sflag:$0x1] =	stream.indirect_vreg.gather [hbm4b:s2+s13], $0x1, v2, vm0, $0x4038;
	[tilespmem:$0x8400] =	vst v63  }
0xf0: {  	v2 =	vadd.s32 $0x16E3E00, v0;
	(ifvalue) =	ssetifvalue $0x7FFFFFFF  }
0xf1: {  	s22 =	sadd.s32 $0x3180, s21;
	(ifvalue) =	ssetifvalue $0x7FFFFFFF  }
0xf2: {  	[tilespmem:s22], [sflag:$0x1] =	stream.indirect_vreg.gather [hbm4b:s2+s13], $0x1, v1, vm0, $0x4038;
	[tilespmem:$0x8400] =	vst v63  }
0xf3: {  	v1 =	vadd.s32 $0x16E3E80, v0;
	(ifvalue) =	ssetifvalue $0x7FFFFFFF  }
0xf4: {  	s22 =	sadd.s32 $0x3200, s21;
	(ifvalue) =	ssetifvalue $0x7FFFFFFF  }
0xf5: {  	[tilespmem:s22], [sflag:$0x1] =	stream.indirect_vreg.gather [hbm4b:s2+s13], $0x1, v2, vm0, $0x4038;
	[tilespmem:$0x8400] =	vst v63  }
0xf6: {  	v2 =	vadd.s32 $0x16E3F00, v0;
	(ifvalue) =	ssetifvalue $0x7FFFFFFF  }
0xf7: {  	s22 =	sadd.s32 $0x3280, s21;
	(ifvalue) =	ssetifvalue $0x7FFFFFFF  }
0xf8: {  	[tilespmem:s22], [sflag:$0x1] =	stream.indirect_vreg.gather [hbm4b:s2+s13], $0x1, v1, vm0, $0x4038;
	[tilespmem:$0x8400] =	vst v63  }
.Ltmp3:
0xf9: {  	v0 =	vadd.s32 $0x16E3F80, v0;
	(ifvalue) =	ssetifvalue $0x7FFFFFFF;
	(pc) =	sbr.rel @p1 .LBB2_3-.Ltmp3, $4  }
0xfa: {  	s22 =	sadd.s32 $0x3300, s21;
	(ifvalue) =	ssetifvalue $0x7FFFFFFF  }
0xfb: {  	[tilespmem:s22], [sflag:$0x1] =	stream.indirect_vreg.gather [hbm4b:s2+s13], $0x1, v2, vm0, $0x4038;
	[tilespmem:$0x8400] =	vst v63  }
0xfc: {  	s19 =	sadd.s32 $0x10, s19;
	(ifvalue) =	ssetifvalue $0x7FFFFFFF  }
0xfd: {  	s20 =	sadd.s32 $0x80, s20;
	s21 =	sadd.s32 $0x3380, s21;
	(ifvalue) =	ssetifvalue $0x7FFFFFFF  }
.Ltmp4:
0xfe: {  	_ = 	snop;
	(pc) =	sbr.rel .LBB2_4-.Ltmp4, $1  }
0xff: {  	_ =	sdelay $0x3  }
.LBB2_6:
0x100: {  	_ =	sfence.sel $0x180000  }
0x101: {  	s2 =	simm.s32 $0x2;
	[bflag:$0x0] =	sbarrier.arrive $0xFFFF  }
0x102: {  	s30 =	simm.s32 $0x3;
	[sflag:s2] =	ssyncpa.u1 $0x1  }
0x103: {  	s31 =	simm.s32 $0x1;
	[sflag:s30] =	ssyncpa.u1 $0x1  }
0x104: {  	[sflag:s31] =	ssyncpa.u1 $0x1  }
0x105: {  	p0 =	sne.s32 s0, $0x0;
	_ =	strace $0x9000004A  }
0x106: {  	s0 =	sadd.s32 @!p0 $0x100000, s1;
	[bflag:$0x2] =	sbarrier.arrive $0xFFFF  }
0x107: {  	[sflag:s0] =	ssyncadd.tile.s32 @!p0 $0x1;
	_ =	shalt  }
.Lfunc_end2:
_tile_overlayer_lowered:
.L_overlay_start_2:
0x108: {  	(tag) =	ssettag $0x2  }
0x109: {  	s0 =	rddreg [dreg:$0x0];
	s2 =	stileid.u32  }
0x10a: {  	s1 =	rddreg [dreg:$0x1];
	p0 =	sne.s32 s2, $0x0  }
0x10b: {  	s3 =	rddreg [dreg:$0x2];
	[bflag:$0x3] =	sbarrier.arrive $0xFFFF;
	s2 =	simm.s32 @!p0 $0x1C01  }
0x10c: {  	[timem:s3], [sflag:s2] =	dma.local @!p0 [hbm:s0], s1  }
0x10d: {  	s0 =	simm.s32 @!p0 $0x1  }
0x10e: {  	_ =	swait.ge @!p0 [sflag:s0], s1  }
0x10f: {  	s1 =	ssub.s32 @!p0 $0x0, s1;
	[sflag:s0] =	ssyncset.done @!p0 $0x0  }
0x110: {  	[sflag:s0] =	ssyncadd.s32 @!p0 s1  }
0x111: {  	[bflag:$0x3] =	sbarrier.arrive $0xFFFF  }
0x112: {  	_ =	shalt  }

// kernel: gather_offload_async_start
scs
__scs_entry_jumppad:
0x0: {  	(pc) =	sbr.rel $0x88, $3  }
0x1: {  	(tag) =	ssettag $0x0;
	lr =	simm.s32 $0x1  }
0x2: {  	[smem:$0x3F99] =	sst lr;
	_ =	strace $0xD0000000  }
0x3: {  	_ = 	snop  }
0x4: {  	_ = 	snop  }
0x5: {  	_ = 	snop  }
0x6: {  	_ = 	snop  }
0x7: {  	_ = 	snop  }
__scs_overlays_trampoline_lowered:
0x8: {  	[smem:$0x3FA8] =	sst s0  }
0x9: {  	[smem:$0x3FA9] =	sst s1  }
0xa: {  	[smem:$0x3FAA] =	sst s2  }
0xb: {  	[smem:$0x3FAB] =	sst s3  }
0xc: {  	[smem:$0x3FAC] =	sst s4  }
0xd: {  	[smem:$0x3FAD] =	sst s5  }
0xe: {  	[smem:$0x3FAE] =	sst s6  }
0xf: {  	[smem:$0x3FAF] =	sst s7  }
0x10: {  	[smem:$0x3FB0] =	sst s8  }
0x11: {  	[smem:$0x3FB1] =	sst s9;
	s0 =	simm.s32 @!p0 $0x0  }
0x12: {  	s1 =	sld [smem:$0x3F97];
	s0 =	simm.s32 @p0 $0x1  }
0x13: {  	[smem:$0x3FB2] =	sst s0;
	s0 =	simm.s32 @!p1 $0x0  }
0x14: {  	s2 =	sld [smem:$0x3F96];
	s0 =	simm.s32 @p1 $0x1  }
0x15: {  	[smem:$0x3FB3] =	sst s0;
	s0 =	simm.s32 @!p2 $0x0  }
0x16: {  	s3 =	sld [smem:$0x3FDB];
	s0 =	simm.s32 @p2 $0x1  }
0x17: {  	s4 =	simm.s32 $0x1BF5;
	[smem:$0x3FB5] =	sst s0  }
0x18: {  	s0 =	sld [smem:$0x3F98];
	_ =	swait.ge [sflag:s4], $0x0  }
0x19: {  	s7 =	sld [smem:$0x3F99]  }
0x1a: {  	s8 =	sadd.s32 $0xFFFFE003, lr  }
0x1b: {  	s9 =	sadd.s32 $0xFFFFFEF7, lr;
	s5 =	simm.s32 $0xFFFFFFFF;
	p2 =	slt.u32 s8, $0xFFFFF086  }
0x1c: {  	p1 =	slt.u32 s9, $0xF7A;
	s5 =	simm.s32 @!p2 $0x0  }
0x1d: {  	s5 =	simm.s32 @p1 $0x1;
	p0 =	seq.s32 s7, s2  }
0x1e: {  	s7 =	smul.u32 @!p0 $0xF7A, s2;
	p2 =	seq.s32 @!p0 s5, $0x0  }
0x1f: {  	s9 =	smul.u32 $0xF7A, s1;
	s8 =	simm.s32 @!p0 $0x1BF5;
	p2 =	por !p2, p0  }
0x20: {  	[sflag:s8] =	ssyncset.s32 @!p0 $0xFFFFF086;
	s6 =	sadd.s32 @!p0 s3, s7;
	s7 =	simm.s32 @!p0 $0x108  }
0x21: {  	s3 =	sadd.s32 s3, s9;
	s6 =	sadd.s32 @!p0 $0x88, s6;
	s7 =	simm.s32 @p2 $0x1082  }
0x22: {  	[simem:s7], [sflag:s8] =	dma.local @!p0 [hbm:s6], $0xF7A  }
0x23: {  	s9 =	sor.u32 $0xD0000000, s2;
	s6 =	simm.s32 $0x108;
	_ =	swait.ge @!p0 [sflag:s8], $0x0  }
0x24: {  	s3 =	sadd.s32 $0x88, s3;
	s6 =	simm.s32 @!p1 $0x1082;
	[sflag:s4] =	ssyncset.s32 $0xFFFFF086  }
0x25: {  	[simem:s6], [sflag:s4] =	dma.local [hbm:s3], $0xF7A  }
0x26: {  	[smem:$0x3F99] =	sst s1;
	(tag) =	ssettag s2;
	_ =	strace s9  }
0x27: {  	s1 =	sld [smem:$0x3FA9]  }
0x28: {  	s2 =	sld [smem:$0x3FAA]  }
0x29: {  	s4 =	sld [smem:$0x3FAC]  }
0x2a: {  	p0 =	seq.s32 s5, $0x0;
	s5 =	sld [smem:$0x3FAD]  }
0x2b: {  	s6 =	sld [smem:$0x3FAE]  }
0x2c: {  	s7 =	sld [smem:$0x3FAF]  }
0x2d: {  	s3 =	simm.s32 $0x108;
	s8 =	sld [smem:$0x3FB0]  }
0x2e: {  	s3 =	simm.s32 @!p0 $0x1082;
	s9 =	sld [smem:$0x3FB1]  }
0x2f: {  	lr =	sadd.s32 s0, s3;
	s0 =	sld [smem:$0x3FA8]  }
0x30: {  	s3 =	sld [smem:$0x3FAB]  }
0x31: {  	[smem:$0x3FB4] =	sst s10  }
0x32: {  	s10 =	sld [smem:$0x3FB2];
	_ =	sdelay $0x3  }
0x33: {  	p0 =	seq.s32 s10, $0x1;
	s10 =	sld [smem:$0x3FB4];
	_ =	sdelay $0x3  }
0x34: {  	[smem:$0x3FB4] =	sst s10  }
0x35: {  	s10 =	sld [smem:$0x3FB3];
	_ =	sdelay $0x3  }
0x36: {  	p1 =	seq.s32 s10, $0x1;
	s10 =	sld [smem:$0x3FB4];
	_ =	sdelay $0x3  }
0x37: {  	[smem:$0x3FB4] =	sst s10  }
0x38: {  	s10 =	sld [smem:$0x3FB5]  }
0x39: {  	_ = 	snop;
	(pc) =	sbr.ind lr, $3  }
0x3a: {  	_ = 	snop  }
0x3b: {  	_ = 	snop  }
0x3c: {  	p2 =	seq.s32 s10, $0x1;
	s10 =	sld [smem:$0x3FB4]  }
0x3d: {  	_ =	shalt  }
0x3e: {  	_ =	shalt  }
0x3f: {  	_ =	shalt  }
0x40: {  	_ =	shalt  }
0x41: {  	_ =	shalt  }
0x42: {  	_ =	shalt  }
0x43: {  	_ =	shalt  }
0x44: {  	_ =	shalt  }
0x45: {  	_ =	shalt  }
0x46: {  	_ =	shalt  }
0x47: {  	_ =	shalt  }
0x48: {  	_ =	shalt  }
0x49: {  	_ =	shalt  }
0x4a: {  	_ =	shalt  }
0x4b: {  	_ =	shalt  }
0x4c: {  	_ =	shalt  }
0x4d: {  	_ =	shalt  }
0x4e: {  	_ =	shalt  }
0x4f: {  	_ =	shalt  }
0x50: {  	_ =	shalt  }
0x51: {  	_ =	shalt  }
0x52: {  	_ =	shalt  }
0x53: {  	_ =	shalt  }
0x54: {  	_ =	shalt  }
0x55: {  	_ =	shalt  }
0x56: {  	_ =	shalt  }
0x57: {  	_ =	shalt  }
0x58: {  	_ =	shalt  }
0x59: {  	_ =	shalt  }
0x5a: {  	_ =	shalt  }
0x5b: {  	_ =	shalt  }
0x5c: {  	_ =	shalt  }
0x5d: {  	_ =	shalt  }
0x5e: {  	_ =	shalt  }
0x5f: {  	_ =	shalt  }
0x60: {  	_ =	shalt  }
0x61: {  	_ =	shalt  }
0x62: {  	_ =	shalt  }
0x63: {  	_ =	shalt  }
0x64: {  	_ =	shalt  }
0x65: {  	_ =	shalt  }
0x66: {  	_ =	shalt  }
0x67: {  	_ =	shalt  }
0x68: {  	_ =	shalt  }
0x69: {  	_ =	shalt  }
0x6a: {  	_ =	shalt  }
0x6b: {  	_ =	shalt  }
0x6c: {  	_ =	shalt  }
0x6d: {  	_ =	shalt  }
0x6e: {  	_ =	shalt  }
0x6f: {  	_ =	shalt  }
0x70: {  	_ =	shalt  }
0x71: {  	_ =	shalt  }
0x72: {  	_ =	shalt  }
0x73: {  	_ =	shalt  }
0x74: {  	_ =	shalt  }
0x75: {  	_ =	shalt  }
0x76: {  	_ =	shalt  }
0x77: {  	_ =	shalt  }
0x78: {  	_ =	shalt  }
0x79: {  	_ =	shalt  }
0x7a: {  	_ =	shalt  }
0x7b: {  	_ =	shalt  }
0x7c: {  	_ =	shalt  }
0x7d: {  	_ =	shalt  }
0x7e: {  	_ =	shalt  }
0x7f: {  	_ =	shalt  }
0x80: {  	_ =	shalt  }
0x81: {  	_ =	shalt  }
0x82: {  	_ =	shalt  }
0x83: {  	_ =	shalt  }
0x84: {  	_ =	shalt  }
0x85: {  	_ =	shalt  }
0x86: {  	_ =	shalt  }
0x87: {  	_ =	shalt  }
.Lfunc_end0:
.L_simem_size_0:
called_computation_lowered:
.L_overlay_start_0:
0x88: {  	s2 =	sld [smem:$0x3FD9]  }
0x89: {  	s3 =	sld [smem:$0x3FFE];
	_ =	sdelay $0x1  }
0x8a: {  	s1 =	srdreg.scid  }
0x8b: {  	s0 =	sand.u32 $0x1, s1  }
0x8c: {  	s17 =	sshll.u32 s0, $0xA;
	s2 =	sadd.s32 s3, s2  }
0x8d: {  	s2 =	sadd.s32 s2, s17  }
0x8e: {  	[smem:$0x3FC0] =	sst s2  }
0x8f: {  	_ = 	snop  }
0x90: {  	s2 =	sld [smem:$0x3FC9]  }
0x91: {  	s18 =	sld [smem:$0x3FD0];
	(tm) =	ssettm $0x1  }
0x92: {  	s4 =	sld [smem:$0x3FFB];
	_ =	sdelay $0x3  }
0x93: {  	_ =	strace s4  }
0x94: {  	s4 =	sld [smem:$0x3FFC];
	_ =	sdelay $0x3  }
0x95: {  	_ =	strace s4  }
0x96: {  	s4 =	sld [smem:$0x3FFD];
	_ =	sdelay $0x3  }
0x97: {  	_ =	strace s4  }
0x98: {  	_ =	strace $0x8FFFFFFF  }
0x99: {  	s19 =	sld [smem:$0x3FDB];
	_ =	sdelay $0x1  }
0x9a: {  	s5 =	simm.s32 $_scs_section_size  }
0x9b: {  	s6 =	simm.s32 $_size__tile_overlayer_lowered;
	s7 =	simm.s32 $_tile_overlayer_lowered  }
0x9c: {  	s22 =	simm.s32 $0x1BFF;
	s21 =	sshll.u32 s7, $0x1;
	s4 =	sadd.s32 s5, s19  }
0x9d: {  	s8 =	simm.s32 $0x0;
	s20 =	sshll.u32 s6, $0x1;
	s6 =	sadd.s32 s21, s4  }
0x9e: {  	[timem:s8], [sflag:s22] =	dma.local [hbm:s6], s20  }
0x9f: {  	_ =	swait.ge [sflag:s22], s20  }
0xa0: {  	s5 =	ssub.s32 $0x0, s20;
	[sflag:s22] =	ssyncset.done $0x0  }
0xa1: {  	[sflag:s22] =	ssyncadd.s32 s5;
	_ =	sdelay $0x1  }
0xa2: {  	s23 =	simm.s32 $0x1B8B  }
0xa3: {  	_ =	swait.ge [sflag:s23], $0x1  }
0xa4: {  	[sflag:s23] =	ssyncset.done $0x0  }
0xa5: {  	s25 =	simm.s32 $0x1B8E;
	s24 =	sld [smem:$0x3FFE];
	[sflag:s23] =	ssyncadd.s32 $0xFFFFFFFF  }
0xa6: {  	s26 =	simm.s32 $execute0_lowered;
	[smem:$0x3FD2] =	sst s25  }
0xa7: {  	s6 =	sshll.u32 s26, $0x1;
	_ =	strace $0x80000046;
	[dreg:$0x1] =	wrdreg $0xFFFFFFFF  }
0xa8: {  	s28 =	simm.s32 $_size_execute0_lowered;
	s4 =	sadd.s32 s4, s6;
	[dreg:$0x0] =	wrdreg $0x0  }
0xa9: {  	s6 =	sshll.u32 s28, $0x1;
	[dreg:$0x2] =	wrdreg s4  }
0xaa: {  	[dreg:$0x3] =	wrdreg s6  }
0xab: {  	[dreg:$0x4] =	wrdreg $0xC0  }
0xac: {  	_ =	task [dreg:s8], $0x5FFFF  }
0xad: {  	[dreg:$0x1] =	wrdreg $0xFFFFFFFF  }
0xae: {  	[dreg:$0x0] =	wrdreg $0x60  }
0xaf: {  	[dreg:$0x2] =	wrdreg s2  }
0xb0: {  	[dreg:$0x3] =	wrdreg s18  }
0xb1: {  	[dreg:$0x4] =	wrdreg s24  }
0xb2: {  	[dreg:$0x5] =	wrdreg $0x9  }
0xb3: {  	_ =	task.clear_ibuf [dreg:s8], $0x6FFFF;
	_ =	strace $0x90000046  }
0xb4: {  	s29 =	simm.s32 $0x9;
	_ =	strace $0x80000048  }
0xb5: {  	_ =	swait.ge [sflag:s29], $0x1  }
0xb6: {  	[sflag:s29] =	ssyncadd.s32 $0xFFFFFFFF  }
0xb7: {  	_ =	strace $0x90000048  }
0xb8: {  	_ =	sfence  }
0xb9: {  	s30 =	sld [smem:$0x0];
	_ =	sdelay $0x2  }
0xba: {  	s31 =	sshll.u32 s1, $0xD;
	s1 =	sshrl.u32 s1, $0x2  }
0xbb: {  	s3 =	sand.u32 $0x4000, s31;
	s1 =	sadd.s32 s1, s30  }
0xbc: {  	s0 =	sor.u32 s3, s0;
	s1 =	sshll.u32 s1, $0x11  }
0xbd: {  	s0 =	sor.u32 s1, s0  }
0xbe: {  	s0 =	sadd.s32 $0x8F2B, s0  }
0xbf: {  	[sflag:s0] =	ssyncadd.remote.s32 $0x1  }
0xc0: {  	_ =	sfence.sel $0xFFFF  }
0xc1: {  	[dreg:$0x0] =	wrdreg $0xFFFFFFFF;
	(pc) =	sbr.abs _section_cstart, $3  }
0xc2: {  	[dreg:$0x1] =	wrdreg $0xFFFFFFFF  }
0xc3: {  	_ =	task.clear_ibuf [dreg:s8], $0x2FFFF;
	_ =	strace $0x9FFFFFFF  }
0xc4: {  	(tm) =	ssettm $0x7FFFFFFF  }
0xc5: {  	_ =	shalt  }
tec
execute0_lowered:
.L_overlay_start_1:
0x0: {  	(tag) =	ssettag $0x1  }
0x1: {  	s2 =	rddreg [dreg:$0x0]  }
0x2: {  	s8 =	rddreg [dreg:$0x1];
	s0 =	srdreg.scid  }
0x3: {  	s11 =	rddreg [dreg:$0x2];
	s1 =	stileid.u32;
	s5 =	simm.s32 $0x1  }
0x4: {  	s6 =	simm.s32 $0x2;
	s10 =	simm.s32 $0x3;
	s13 =	simm.s32 $0x0  }
0x5: {  	s15 =	simm.s32 $0x0;
	s3 =	sshll.u32 s0, $0x9;
	s0 =	rddreg [dreg:$0x3]  }
0x6: {  	s4 =	sshll.u32 s1, $0xA;
	_ =	strace $0x80000047;
	s3 =	sand.u32 $0x200, s3  }
0x7: {  	s14 =	simm.s32 $0x0;
	[sflag:s5] =	ssyncpa.u1 $0x0;
	s3 =	sor.u32 s4, s3  }
0x8: {  	s4 =	sadd.s32 $0x1C00, s11;
	[sflag:s6] =	ssyncpa.u1 $0x0;
	s7 =	ssub.s32 $0x4000, s3  }
.Ltmp0:
0x9: {  	[sflag:s10] =	ssyncpa.u1 $0x0;
	s9 =	sand.u32 $0x3E00, s7;
	(pc) =	sbr.rel .LBB2_1-.Ltmp0, $4  }
0xa: {  	s31 =	sshrl.u32 s3, $0x3;
	p0 =	sne.s32 s9, $0x0;
	s9 =	simm.s32 $0x1  }
0xb: {  	s10 =	sadd.s32 $0x9C00, s11;
	s7 =	sshrl.u32 s7, $0xE;
	s9 =	simm.s32 @!p0 $0x0  }
0xc: {  	s8 =	sadd.s32 s8, s31;
	p0 =	por $0x0, $0x0;
	s7 =	sadd.s32 s9, s7  }
0xd: {  	vm0 =	vmmov $0xffff;
	s9 =	sadd.s32 $0x5C00, s11;
	s11 =	sadd.s32 $0xDC00, s11;
	s12 =	sadd.s32 $0x1, s7  }
.LBB2_4:
0xe: {  	_ =	sdelay $0x3  }
0xf: {  	[tilespmem:s21], [sflag:$0x1] =	stream.indirect_vreg.gather [hbm4b:s2+s13], $0x1, v0, vm0, $0x4038;
	[tilespmem:$0x8400] =	vst v63  }
0x10: {  	s18 =	sshll.u32 s15, $0x3  }
0x11: {  	s24 =	sand.u32 $0x78, s15;
	s18 =	sand.u32 $0x7FFFFC00, s18  }
0x12: {  	_ =	swait.ge [sflag:s5], $0x4000;
	s15 =	sor.u32 s24, s18  }
0x13: {  	[sflag:s5] =	ssyncset.done $0x0;
	s15 =	sshrl.u32 s15, $0x3  }
0x14: {  	[sflag:s5] =	ssyncadd.s32 $0xFFFFC000;
	s25 =	sadd.s32 s4, s15  }
0x15: {  	[hbm:s25] =	stream.linear.scatter [tilespmem:s17], [sflag:$0x3], $0x1000, $0x38;
	[tilespmem:$0x8400] =	vst v63  }
0x16: {  	s26 =	sadd.s32 $0x1400, s16;
	s28 =	sadd.s32 s15, s9  }
0x17: {  	[hbm:s28] =	stream.linear.scatter [tilespmem:s26], [sflag:$0x3], $0x1000, $0x38;
	[tilespmem:$0x8400] =	vst v63  }
0x18: {  	s29 =	sadd.s32 $0x2400, s16;
	s30 =	sadd.s32 s15, s10  }
0x19: {  	[hbm:s30] =	stream.linear.scatter [tilespmem:s29], [sflag:$0x3], $0x1000, $0x38;
	[tilespmem:$0x8400] =	vst v63  }
0x1a: {  	s31 =	sadd.s32 $0x3400, s16;
	s15 =	sadd.s32 s15, s11  }
0x1b: {  	[hbm:s15] =	stream.linear.scatter [tilespmem:s31], [sflag:$0x3], $0x1000, $0x38;
	[tilespmem:$0x8400] =	vst v63  }
.LBB2_5:
0x1c: {  	p2 =	sne.s32 s14, s12  }
.Ltmp1:
0x1d: {  	p1 =	slt.u32 s14, $0x2;
	(pc) =	sbr.rel @!p2 .LBB2_6-.Ltmp1, $4  }
0x1e: {  	s15 =	simm.s32 @!p1 $0x3  }
0x1f: {  	_ =	swait.ge @!p1 [sflag:s15], $0x4000  }
0x20: {  	s16 =	sadd.s32 $0x1, s14;
	p0 =	por !p0, !p0;
	[sflag:s15] =	ssyncset.done @!p1 $0x0  }
0x21: {  	s14 =	smov.u32 s16;
	[sflag:s15] =	ssyncadd.s32 @!p1 $0xFFFFC000;
	s15 =	smov.u32 s3  }
.LBB2_1:
0x22: {  	p1 =	sge.u32 s14, s7  }
0x23: {  	s16 =	sxor.u32 @!p1 $0xFFFFFFFF, s14  }
0x24: {  	s16 =	sshll.u32 @!p1 s16, $0x9  }
0x25: {  	s31 =	sadd.s32 $0xFFFFFFFF, s14;
	s17 =	simm.s32 @!p1 $0x0;
	s16 =	sand.u32 @!p1 $0x200, s16  }
0x26: {  	[tilespmem:s16], [sflag:$0x2] =	stream.linear.gather @!p1 [hbm4b:s8+s17], $0x200, $0x38;
	[tilespmem:$0x8400] =	vst v63  }
0x27: {  	p1 =	sge.u32 s31, s7  }
.Ltmp2:
0x28: {  	_ = 	snop;
	(pc) =	sbr.rel @p1 .LBB2_5-.Ltmp2, $1  }
0x29: {  	_ =	sdelay $0x3  }
0x2a: {  	s16 =	simm.s32 $0x1;
	_ =	swait.ge [sflag:s6], $0x200  }
0x2b: {  	s16 =	simm.s32 @!p0 $0x0;
	[sflag:s6] =	ssyncset.done $0x0  }
0x2c: {  	s19 =	sshll.u32 s16, $0x9;
	[sflag:s6] =	ssyncadd.s32 $0xFFFFFE00  }
0x2d: {  	v0 =	vld.msk [tilespmem:s19+$0x0 ss:$0x1], $0xffff;
	_ =	sdelay $0x4  }
0x2e: {  	vm1 =	vgt.s32 v0, $0x0  }
0x2f: {  	v0 =	vnsel vm1, $0x0, v0  }
0x30: {  	v0 =	vmin.u32 v0, $0xF423F  }
0x31: {  	v1 =	vshll.u32 v0, $0x3  }
0x32: {  	v0 =	vand.u32 $0x7F, v0;
	v1 =	vand.u32 $0x7FFC00, v1  }
0x33: {  	s22 =	sshll.u32 s14, $0xE;
	v0 =	vor.u32 v0, v1  }
0x34: {  	s18 =	simm.s32 $0x0;
	s16 =	sand.u32 $0x4000, s22  }
0x35: {  	s20 =	sand.u32 $0xC00, s18;
	s17 =	sor.u32 $0x400, s16  }
0x36: {  	s21 =	sand.u32 $0x70, s18;
	(ifvalue) =	ssetifvalue $0x7FFFFFFF;
	s20 =	sadd.s32 s20, s17;
	v1 =	vor.u32 $0x80, v0  }
0x37: {  	(ifvalue) =	ssetifvalue $0x7FFFFFFF;
	s20 =	sadd.s32 s21, s20  }
0x38: {  	[tilespmem:s20], [sflag:$0x1] =	stream.indirect_vreg.gather [hbm4b:s2+s13], $0x1, v0, vm0, $0x4038;
	[tilespmem:$0x8400] =	vst v63  }
0x39: {  	v2 =	vor.u32 $0x100, v0;
	(ifvalue) =	ssetifvalue $0x7FFFFFFF  }
0x3a: {  	s21 =	sadd.s32 $0x80, s20;
	(ifvalue) =	ssetifvalue $0x7FFFFFFF  }
0x3b: {  	[tilespmem:s21], [sflag:$0x1] =	stream.indirect_vreg.gather [hbm4b:s2+s13], $0x1, v1, vm0, $0x4038;
	[tilespmem:$0x8400] =	vst v63  }
0x3c: {  	v1 =	vor.u32 $0x180, v0;
	(ifvalue) =	ssetifvalue $0x7FFFFFFF  }
0x3d: {  	s23 =	sadd.s32 $0x100, s20;
	(ifvalue) =	ssetifvalue $0x7FFFFFFF  }
0x3e: {  	[tilespmem:s23], [sflag:$0x1] =	stream.indirect_vreg.gather [hbm4b:s2+s13], $0x1, v2, vm0, $0x4038;
	[tilespmem:$0x8400] =	vst v63  }
0x3f: {  	v2 =	vor.u32 $0x200, v0;
	(ifvalue) =	ssetifvalue $0x7FFFFFFF  }
0x40: {  	s24 =	sadd.s32 $0x180, s20;
	(ifvalue) =	ssetifvalue $0x7FFFFFFF  }
0x41: {  	[tilespmem:s24], [sflag:$0x1] =	stream.indirect_vreg.gather [hbm4b:s2+s13], $0x1, v1, vm0, $0x4038;
	[tilespmem:$0x8400] =	vst v63  }
0x42: {  	(ifvalue) =	ssetifvalue $0x7FFFFFFF;
	v1 =	vor.u32 $0x280, v0  }
0x43: {  	s25 =	sadd.s32 $0x200, s20;
	(ifvalue) =	ssetifvalue $0x7FFFFFFF  }
0x44: {  	[tilespmem:s25], [sflag:$0x1] =	stream.indirect_vreg.gather [hbm4b:s2+s13], $0x1, v2, vm0, $0x4038;
	[tilespmem:$0x8400] =	vst v63  }
0x45: {  	(ifvalue) =	ssetifvalue $0x7FFFFFFF;
	v2 =	vor.u32 $0x300, v0  }
0x46: {  	s26 =	sadd.s32 $0x280, s20;
	(ifvalue) =	ssetifvalue $0x7FFFFFFF  }
0x47: {  	[tilespmem:s26], [sflag:$0x1] =	stream.indirect_vreg.gather [hbm4b:s2+s13], $0x1, v1, vm0, $0x4038;
	[tilespmem:$0x8400] =	vst v63  }
0x48: {  	(ifvalue) =	ssetifvalue $0x7FFFFFFF;
	v1 =	vor.u32 $0x380, v0  }
0x49: {  	s18 =	sor.u32 s18, s18;
	s28 =	sadd.s32 $0x300, s20;
	(ifvalue) =	ssetifvalue $0x7FFFFFFF  }
0x4a: {  	[tilespmem:s28], [sflag:$0x1] =	stream.indirect_vreg.gather [hbm4b:s2+s13], $0x1, v2, vm0, $0x4038;
	[tilespmem:$0x8400] =	vst v63  }
0x4b: {  	s18 =	sor.u32 $0x380, s18;
	(ifvalue) =	ssetifvalue $0x7FFFFFFF;
	v2 =	vadd.s32 $0x7A1400, v0  }
0x4c: {  	s18 =	sadd.s32 s18, s17;
	(ifvalue) =	ssetifvalue $0x7FFFFFFF  }
0x4d: {  	[tilespmem:s18], [sflag:$0x1] =	stream.indirect_vreg.gather [hbm4b:s2+s13], $0x1, v1, vm0, $0x4038;
	[tilespmem:$0x8400] =	vst v63  }
0x4e: {  	(ifvalue) =	ssetifvalue $0x7FFFFFFF;
	v1 =	vadd.s32 $0x7A1480, v0  }
0x4f: {  	s29 =	sadd.s32 $0x1000, s20;
	(ifvalue) =	ssetifvalue $0x7FFFFFFF  }
0x50: {  	[tilespmem:s29], [sflag:$0x1] =	stream.indirect_vreg.gather [hbm4b:s2+s13], $0x1, v2, vm0, $0x4038;
	[tilespmem:$0x8400] =	vst v63  }
0x51: {  	(ifvalue) =	ssetifvalue $0x7FFFFFFF;
	v2 =	vadd.s32 $0x7A1500, v0  }
0x52: {  	s30 =	sadd.s32 $0x1080, s20;
	(ifvalue) =	ssetifvalue $0x7FFFFFFF  }
0x53: {  	[tilespmem:s30], [sflag:$0x1] =	stream.indirect_vreg.gather [hbm4b:s2+s13], $0x1, v1, vm0, $0x4038;
	[tilespmem:$0x8400] =	vst v63  }
0x54: {  	(ifvalue) =	ssetifvalue $0x7FFFFFFF;
	v1 =	vadd.s32 $0x7A1580, v0  }
0x55: {  	s31 =	sadd.s32 $0x1100, s20;
	(ifvalue) =	ssetifvalue $0x7FFFFFFF  }
0x56: {  	[tilespmem:s31], [sflag:$0x1] =	stream.indirect_vreg.gather [hbm4b:s2+s13], $0x1, v2, vm0, $0x4038;
	[tilespmem:$0x8400] =	vst v63  }
0x57: {  	(ifvalue) =	ssetifvalue $0x7FFFFFFF;
	v2 =	vadd.s32 $0x7A1600, v0  }
0x58: {  	s21 =	sadd.s32 $0x1180, s20;
	(ifvalue) =	ssetifvalue $0x7FFFFFFF  }
0x59: {  	[tilespmem:s21], [sflag:$0x1] =	stream.indirect_vreg.gather [hbm4b:s2+s13], $0x1, v1, vm0, $0x4038;
	[tilespmem:$0x8400] =	vst v63  }
0x5a: {  	(ifvalue) =	ssetifvalue $0x7FFFFFFF;
	v1 =	vadd.s32 $0x7A1680, v0  }
0x5b: {  	s22 =	sadd.s32 $0x1200, s20;
	(ifvalue) =	ssetifvalue $0x7FFFFFFF  }
0x5c: {  	[tilespmem:s22], [sflag:$0x1] =	stream.indirect_vreg.gather [hbm4b:s2+s13], $0x1, v2, vm0, $0x4038;
	[tilespmem:$0x8400] =	vst v63  }
0x5d: {  	(ifvalue) =	ssetifvalue $0x7FFFFFFF;
	v2 =	vadd.s32 $0x7A1700, v0  }
0x5e: {  	s23 =	sadd.s32 $0x1280, s20;
	(ifvalue) =	ssetifvalue $0x7FFFFFFF  }
0x5f: {  	[tilespmem:s23], [sflag:$0x1] =	stream.indirect_vreg.gather [hbm4b:s2+s13], $0x1, v1, vm0, $0x4038;
	[tilespmem:$0x8400] =	vst v63  }
0x60: {  	(ifvalue) =	ssetifvalue $0x7FFFFFFF;
	v1 =	vadd.s32 $0x7A1780, v0  }
0x61: {  	s24 =	sadd.s32 $0x1300, s20;
	(ifvalue) =	ssetifvalue $0x7FFFFFFF  }
0x62: {  	[tilespmem:s24], [sflag:$0x1] =	stream.indirect_vreg.gather [hbm4b:s2+s13], $0x1, v2, vm0, $0x4038;
	[tilespmem:$0x8400] =	vst v63  }
0x63: {  	(ifvalue) =	ssetifvalue $0x7FFFFFFF;
	v2 =	vadd.s32 $0xF42800, v0  }
0x64: {  	s25 =	sadd.s32 $0x1380, s20;
	(ifvalue) =	ssetifvalue $0x7FFFFFFF  }
0x65: {  	[tilespmem:s25], [sflag:$0x1] =	stream.indirect_vreg.gather [hbm4b:s2+s13], $0x1, v1, vm0, $0x4038;
	[tilespmem:$0x8400] =	vst v63  }
0x66: {  	(ifvalue) =	ssetifvalue $0x7FFFFFFF;
	v1 =	vadd.s32 $0xF42880, v0  }
0x67: {  	s26 =	sadd.s32 $0x2000, s20;
	(ifvalue) =	ssetifvalue $0x7FFFFFFF  }
0x68: {  	[tilespmem:s26], [sflag:$0x1] =	stream.indirect_vreg.gather [hbm4b:s2+s13], $0x1, v2, vm0, $0x4038;
	[tilespmem:$0x8400] =	vst v63  }
0x69: {  	(ifvalue) =	ssetifvalue $0x7FFFFFFF;
	v2 =	vadd.s32 $0xF42900, v0  }
0x6a: {  	s28 =	sadd.s32 $0x2080, s20;
	(ifvalue) =	ssetifvalue $0x7FFFFFFF  }
0x6b: {  	[tilespmem:s28], [sflag:$0x1] =	stream.indirect_vreg.gather [hbm4b:s2+s13], $0x1, v1, vm0, $0x4038;
	[tilespmem:$0x8400] =	vst v63  }
0x6c: {  	(ifvalue) =	ssetifvalue $0x7FFFFFFF;
	v1 =	vadd.s32 $0xF42980, v0  }
0x6d: {  	s29 =	sadd.s32 $0x2100, s20;
	(ifvalue) =	ssetifvalue $0x7FFFFFFF  }
0x6e: {  	[tilespmem:s29], [sflag:$0x1] =	stream.indirect_vreg.gather [hbm4b:s2+s13], $0x1, v2, vm0, $0x4038;
	[tilespmem:$0x8400] =	vst v63  }
0x6f: {  	(ifvalue) =	ssetifvalue $0x7FFFFFFF;
	v2 =	vadd.s32 $0xF42A00, v0  }
0x70: {  	s30 =	sadd.s32 $0x2180, s20;
	(ifvalue) =	ssetifvalue $0x7FFFFFFF  }
0x71: {  	[tilespmem:s30], [sflag:$0x1] =	stream.indirect_vreg.gather [hbm4b:s2+s13], $0x1, v1, vm0, $0x4038;
	[tilespmem:$0x8400] =	vst v63  }
0x72: {  	(ifvalue) =	ssetifvalue $0x7FFFFFFF;
	v1 =	vadd.s32 $0xF42A80, v0  }
0x73: {  	s31 =	sadd.s32 $0x2200, s20;
	(ifvalue) =	ssetifvalue $0x7FFFFFFF  }
0x74: {  	[tilespmem:s31], [sflag:$0x1] =	stream.indirect_vreg.gather [hbm4b:s2+s13], $0x1, v2, vm0, $0x4038;
	[tilespmem:$0x8400] =	vst v63  }
0x75: {  	(ifvalue) =	ssetifvalue $0x7FFFFFFF;
	v2 =	vadd.s32 $0xF42B00, v0  }
0x76: {  	s21 =	sadd.s32 $0x2280, s20;
	(ifvalue) =	ssetifvalue $0x7FFFFFFF  }
0x77: {  	[tilespmem:s21], [sflag:$0x1] =	stream.indirect_vreg.gather [hbm4b:s2+s13], $0x1, v1, vm0, $0x4038;
	[tilespmem:$0x8400] =	vst v63  }
0x78: {  	(ifvalue) =	ssetifvalue $0x7FFFFFFF;
	v1 =	vadd.s32 $0xF42B80, v0  }
0x79: {  	s22 =	sadd.s32 $0x2300, s20;
	(ifvalue) =	ssetifvalue $0x7FFFFFFF  }
0x7a: {  	[tilespmem:s22], [sflag:$0x1] =	stream.indirect_vreg.gather [hbm4b:s2+s13], $0x1, v2, vm0, $0x4038;
	[tilespmem:$0x8400] =	vst v63  }
0x7b: {  	(ifvalue) =	ssetifvalue $0x7FFFFFFF;
	v2 =	vadd.s32 $0x16E3C00, v0  }
0x7c: {  	s23 =	sadd.s32 $0x2380, s20;
	(ifvalue) =	ssetifvalue $0x7FFFFFFF  }
0x7d: {  	[tilespmem:s23], [sflag:$0x1] =	stream.indirect_vreg.gather [hbm4b:s2+s13], $0x1, v1, vm0, $0x4038;
	[tilespmem:$0x8400] =	vst v63  }
0x7e: {  	(ifvalue) =	ssetifvalue $0x7FFFFFFF;
	v1 =	vadd.s32 $0x16E3C80, v0  }
0x7f: {  	s24 =	sadd.s32 $0x3000, s20;
	(ifvalue) =	ssetifvalue $0x7FFFFFFF  }
0x80: {  	[tilespmem:s24], [sflag:$0x1] =	stream.indirect_vreg.gather [hbm4b:s2+s13], $0x1, v2, vm0, $0x4038;
	[tilespmem:$0x8400] =	vst v63  }
0x81: {  	(ifvalue) =	ssetifvalue $0x7FFFFFFF;
	v2 =	vadd.s32 $0x16E3D00, v0  }
0x82: {  	s25 =	sadd.s32 $0x3080, s20;
	(ifvalue) =	ssetifvalue $0x7FFFFFFF  }
0x83: {  	[tilespmem:s25], [sflag:$0x1] =	stream.indirect_vreg.gather [hbm4b:s2+s13], $0x1, v1, vm0, $0x4038;
	[tilespmem:$0x8400] =	vst v63  }
0x84: {  	(ifvalue) =	ssetifvalue $0x7FFFFFFF;
	v1 =	vadd.s32 $0x16E3D80, v0  }
0x85: {  	s26 =	sadd.s32 $0x3100, s20;
	(ifvalue) =	ssetifvalue $0x7FFFFFFF  }
0x86: {  	[tilespmem:s26], [sflag:$0x1] =	stream.indirect_vreg.gather [hbm4b:s2+s13], $0x1, v2, vm0, $0x4038;
	[tilespmem:$0x8400] =	vst v63  }
0x87: {  	(ifvalue) =	ssetifvalue $0x7FFFFFFF;
	v2 =	vadd.s32 $0x16E3E00, v0  }
0x88: {  	s28 =	sadd.s32 $0x3180, s20;
	(ifvalue) =	ssetifvalue $0x7FFFFFFF  }
0x89: {  	[tilespmem:s28], [sflag:$0x1] =	stream.indirect_vreg.gather [hbm4b:s2+s13], $0x1, v1, vm0, $0x4038;
	[tilespmem:$0x8400] =	vst v63  }
0x8a: {  	(ifvalue) =	ssetifvalue $0x7FFFFFFF;
	v1 =	vadd.s32 $0x16E3E80, v0  }
0x8b: {  	s29 =	sadd.s32 $0x3200, s20;
	(ifvalue) =	ssetifvalue $0x7FFFFFFF  }
0x8c: {  	[tilespmem:s29], [sflag:$0x1] =	stream.indirect_vreg.gather [hbm4b:s2+s13], $0x1, v2, vm0, $0x4038;
	[tilespmem:$0x8400] =	vst v63  }
0x8d: {  	(ifvalue) =	ssetifvalue $0x7FFFFFFF;
	v2 =	vadd.s32 $0x16E3F00, v0  }
0x8e: {  	s30 =	sadd.s32 $0x3280, s20;
	(ifvalue) =	ssetifvalue $0x7FFFFFFF  }
0x8f: {  	[tilespmem:s30], [sflag:$0x1] =	stream.indirect_vreg.gather [hbm4b:s2+s13], $0x1, v1, vm0, $0x4038;
	[tilespmem:$0x8400] =	vst v63  }
0x90: {  	v0 =	vadd.s32 $0x16E3F80, v0;
	(ifvalue) =	ssetifvalue $0x7FFFFFFF  }
0x91: {  	s31 =	sadd.s32 $0x3300, s20;
	(ifvalue) =	ssetifvalue $0x7FFFFFFF  }
0x92: {  	[tilespmem:s31], [sflag:$0x1] =	stream.indirect_vreg.gather [hbm4b:s2+s13], $0x1, v2, vm0, $0x4038;
	[tilespmem:$0x8400] =	vst v63  }
0x93: {  	s19 =	sadd.s32 $0x10, s19;
	s18 =	simm.s32 $0x10;
	(ifvalue) =	ssetifvalue $0x7FFFFFFF  }
0x94: {  	s21 =	sadd.s32 $0x3380, s20;
	s20 =	simm.s32 $0x80;
	(ifvalue) =	ssetifvalue $0x7FFFFFFF  }
.LBB2_3:
0x95: {  	[tilespmem:s21], [sflag:$0x1] =	stream.indirect_vreg.gather [hbm4b:s2+s13], $0x1, v0, vm0, $0x4038;
	[tilespmem:$0x8400] =	vst v63  }
0x96: {  	p1 =	sne.s32 s18, $0x1F0;
	s22 =	smov.u32 s18;
	s18 =	sadd.s32 $0x10, s18;
	v0 =	vld.msk [tilespmem:s19+$0x0 ss:$0x1], $0xffff  }
0x97: {  	(ifvalue) =	ssetifvalue $0x7FFFFFFF;
	_ =	sdelay $0x4  }
0x98: {  	vm1 =	vgt.s32 v0, $0x0  }
0x99: {  	v0 =	vnsel vm1, $0x0, v0  }
0x9a: {  	v0 =	vmin.u32 v0, $0xF423F  }
0x9b: {  	v1 =	vshll.u32 v0, $0x3  }
0x9c: {  	v0 =	vand.u32 $0x7F, v0;
	v1 =	vand.u32 $0x7FFC00, v1  }
0x9d: {  	v0 =	vor.u32 v0, v1;
	_ =	sdelay $0x1  }
0x9e: {  	s21 =	sand.u32 $0xC00, s20  }
0x9f: {  	s23 =	sand.u32 $0x70, s22;
	s21 =	sadd.s32 s21, s17;
	v1 =	vor.u32 $0x80, v0  }
0xa0: {  	s21 =	sadd.s32 s23, s21;
	(ifvalue) =	ssetifvalue $0x7FFFFFFF  }
0xa1: {  	[tilespmem:s21], [sflag:$0x1] =	stream.indirect_vreg.gather [hbm4b:s2+s13], $0x1, v0, vm0, $0x4038;
	[tilespmem:$0x8400] =	vst v63  }
0xa2: {  	v2 =	vor.u32 $0x100, v0;
	(ifvalue) =	ssetifvalue $0x7FFFFFFF  }
0xa3: {  	s23 =	sadd.s32 $0x80, s21;
	(ifvalue) =	ssetifvalue $0x7FFFFFFF  }
0xa4: {  	[tilespmem:s23], [sflag:$0x1] =	stream.indirect_vreg.gather [hbm4b:s2+s13], $0x1, v1, vm0, $0x4038;
	[tilespmem:$0x8400] =	vst v63  }
0xa5: {  	v1 =	vor.u32 $0x180, v0;
	(ifvalue) =	ssetifvalue $0x7FFFFFFF  }
0xa6: {  	s23 =	sadd.s32 $0x100, s21;
	(ifvalue) =	ssetifvalue $0x7FFFFFFF  }
0xa7: {  	[tilespmem:s23], [sflag:$0x1] =	stream.indirect_vreg.gather [hbm4b:s2+s13], $0x1, v2, vm0, $0x4038;
	[tilespmem:$0x8400] =	vst v63  }
0xa8: {  	v2 =	vor.u32 $0x200, v0;
	(ifvalue) =	ssetifvalue $0x7FFFFFFF  }
0xa9: {  	s23 =	sadd.s32 $0x180, s21;
	(ifvalue) =	ssetifvalue $0x7FFFFFFF  }
0xaa: {  	[tilespmem:s23], [sflag:$0x1] =	stream.indirect_vreg.gather [hbm4b:s2+s13], $0x1, v1, vm0, $0x4038;
	[tilespmem:$0x8400] =	vst v63  }
0xab: {  	v1 =	vor.u32 $0x280, v0;
	(ifvalue) =	ssetifvalue $0x7FFFFFFF  }
0xac: {  	s23 =	sadd.s32 $0x200, s21;
	(ifvalue) =	ssetifvalue $0x7FFFFFFF  }
0xad: {  	[tilespmem:s23], [sflag:$0x1] =	stream.indirect_vreg.gather [hbm4b:s2+s13], $0x1, v2, vm0, $0x4038;
	[tilespmem:$0x8400] =	vst v63  }
0xae: {  	v2 =	vor.u32 $0x300, v0;
	(ifvalue) =	ssetifvalue $0x7FFFFFFF  }
0xaf: {  	s23 =	sadd.s32 $0x280, s21;
	(ifvalue) =	ssetifvalue $0x7FFFFFFF  }
0xb0: {  	[tilespmem:s23], [sflag:$0x1] =	stream.indirect_vreg.gather [hbm4b:s2+s13], $0x1, v1, vm0, $0x4038;
	[tilespmem:$0x8400] =	vst v63  }
0xb1: {  	v1 =	vor.u32 $0x380, v0;
	(ifvalue) =	ssetifvalue $0x7FFFFFFF  }
0xb2: {  	s22 =	sor.u32 s20, s22;
	s23 =	sadd.s32 $0x300, s21;
	(ifvalue) =	ssetifvalue $0x7FFFFFFF  }
0xb3: {  	[tilespmem:s23], [sflag:$0x1] =	stream.indirect_vreg.gather [hbm4b:s2+s13], $0x1, v2, vm0, $0x4038;
	[tilespmem:$0x8400] =	vst v63  }
0xb4: {  	s22 =	sor.u32 $0x380, s22;
	v2 =	vadd.s32 $0x7A1400, v0;
	(ifvalue) =	ssetifvalue $0x7FFFFFFF  }
0xb5: {  	s22 =	sadd.s32 s22, s17;
	(ifvalue) =	ssetifvalue $0x7FFFFFFF  }
0xb6: {  	[tilespmem:s22], [sflag:$0x1] =	stream.indirect_vreg.gather [hbm4b:s2+s13], $0x1, v1, vm0, $0x4038;
	[tilespmem:$0x8400] =	vst v63  }
0xb7: {  	v1 =	vadd.s32 $0x7A1480, v0;
	(ifvalue) =	ssetifvalue $0x7FFFFFFF  }
0xb8: {  	s22 =	sadd.s32 $0x1000, s21;
	(ifvalue) =	ssetifvalue $0x7FFFFFFF  }
0xb9: {  	[tilespmem:s22], [sflag:$0x1] =	stream.indirect_vreg.gather [hbm4b:s2+s13], $0x1, v2, vm0, $0x4038;
	[tilespmem:$0x8400] =	vst v63  }
0xba: {  	v2 =	vadd.s32 $0x7A1500, v0;
	(ifvalue) =	ssetifvalue $0x7FFFFFFF  }
0xbb: {  	s22 =	sadd.s32 $0x1080, s21;
	(ifvalue) =	ssetifvalue $0x7FFFFFFF  }
0xbc: {  	[tilespmem:s22], [sflag:$0x1] =	stream.indirect_vreg.gather [hbm4b:s2+s13], $0x1, v1, vm0, $0x4038;
	[tilespmem:$0x8400] =	vst v63  }
0xbd: {  	v1 =	vadd.s32 $0x7A1580, v0;
	(ifvalue) =	ssetifvalue $0x7FFFFFFF  }
0xbe: {  	s22 =	sadd.s32 $0x1100, s21;
	(ifvalue) =	ssetifvalue $0x7FFFFFFF  }
0xbf: {  	[tilespmem:s22], [sflag:$0x1] =	stream.indirect_vreg.gather [hbm4b:s2+s13], $0x1, v2, vm0, $0x4038;
	[tilespmem:$0x8400] =	vst v63  }
0xc0: {  	v2 =	vadd.s32 $0x7A1600, v0;
	(ifvalue) =	ssetifvalue $0x7FFFFFFF  }
0xc1: {  	s22 =	sadd.s32 $0x1180, s21;
	(ifvalue) =	ssetifvalue $0x7FFFFFFF  }
0xc2: {  	[tilespmem:s22], [sflag:$0x1] =	stream.indirect_vreg.gather [hbm4b:s2+s13], $0x1, v1, vm0, $0x4038;
	[tilespmem:$0x8400] =	vst v63  }
0xc3: {  	v1 =	vadd.s32 $0x7A1680, v0;
	(ifvalue) =	ssetifvalue $0x7FFFFFFF  }
0xc4: {  	s22 =	sadd.s32 $0x1200, s21;
	(ifvalue) =	ssetifvalue $0x7FFFFFFF  }
0xc5: {  	[tilespmem:s22], [sflag:$0x1] =	stream.indirect_vreg.gather [hbm4b:s2+s13], $0x1, v2, vm0, $0x4038;
	[tilespmem:$0x8400] =	vst v63  }
0xc6: {  	v2 =	vadd.s32 $0x7A1700, v0;
	(ifvalue) =	ssetifvalue $0x7FFFFFFF  }
0xc7: {  	s22 =	sadd.s32 $0x1280, s21;
	(ifvalue) =	ssetifvalue $0x7FFFFFFF  }
0xc8: {  	[tilespmem:s22], [sflag:$0x1] =	stream.indirect_vreg.gather [hbm4b:s2+s13], $0x1, v1, vm0, $0x4038;
	[tilespmem:$0x8400] =	vst v63  }
0xc9: {  	v1 =	vadd.s32 $0x7A1780, v0;
	(ifvalue) =	ssetifvalue $0x7FFFFFFF  }
0xca: {  	s22 =	sadd.s32 $0x1300, s21;
	(ifvalue) =	ssetifvalue $0x7FFFFFFF  }
0xcb: {  	[tilespmem:s22], [sflag:$0x1] =	stream.indirect_vreg.gather [hbm4b:s2+s13], $0x1, v2, vm0, $0x4038;
	[tilespmem:$0x8400] =	vst v63  }
0xcc: {  	v2 =	vadd.s32 $0xF42800, v0;
	(ifvalue) =	ssetifvalue $0x7FFFFFFF  }
0xcd: {  	s22 =	sadd.s32 $0x1380, s21;
	(ifvalue) =	ssetifvalue $0x7FFFFFFF  }
0xce: {  	[tilespmem:s22], [sflag:$0x1] =	stream.indirect_vreg.gather [hbm4b:s2+s13], $0x1, v1, vm0, $0x4038;
	[tilespmem:$0x8400] =	vst v63  }
0xcf: {  	v1 =	vadd.s32 $0xF42880, v0;
	(ifvalue) =	ssetifvalue $0x7FFFFFFF  }
0xd0: {  	s22 =	sadd.s32 $0x2000, s21;
	(ifvalue) =	ssetifvalue $0x7FFFFFFF  }
0xd1: {  	[tilespmem:s22], [sflag:$0x1] =	stream.indirect_vreg.gather [hbm4b:s2+s13], $0x1, v2, vm0, $0x4038;
	[tilespmem:$0x8400] =	vst v63  }
0xd2: {  	v2 =	vadd.s32 $0xF42900, v0;
	(ifvalue) =	ssetifvalue $0x7FFFFFFF  }
0xd3: {  	s22 =	sadd.s32 $0x2080, s21;
	(ifvalue) =	ssetifvalue $0x7FFFFFFF  }
0xd4: {  	[tilespmem:s22], [sflag:$0x1] =	stream.indirect_vreg.gather [hbm4b:s2+s13], $0x1, v1, vm0, $0x4038;
	[tilespmem:$0x8400] =	vst v63  }
0xd5: {  	v1 =	vadd.s32 $0xF42980, v0;
	(ifvalue) =	ssetifvalue $0x7FFFFFFF  }
0xd6: {  	s22 =	sadd.s32 $0x2100, s21;
	(ifvalue) =	ssetifvalue $0x7FFFFFFF  }
0xd7: {  	[tilespmem:s22], [sflag:$0x1] =	stream.indirect_vreg.gather [hbm4b:s2+s13], $0x1, v2, vm0, $0x4038;
	[tilespmem:$0x8400] =	vst v63  }
0xd8: {  	v2 =	vadd.s32 $0xF42A00, v0;
	(ifvalue) =	ssetifvalue $0x7FFFFFFF  }
0xd9: {  	s22 =	sadd.s32 $0x2180, s21;
	(ifvalue) =	ssetifvalue $0x7FFFFFFF  }
0xda: {  	[tilespmem:s22], [sflag:$0x1] =	stream.indirect_vreg.gather [hbm4b:s2+s13], $0x1, v1, vm0, $0x4038;
	[tilespmem:$0x8400] =	vst v63  }
0xdb: {  	v1 =	vadd.s32 $0xF42A80, v0;
	(ifvalue) =	ssetifvalue $0x7FFFFFFF  }
0xdc: {  	s22 =	sadd.s32 $0x2200, s21;
	(ifvalue) =	ssetifvalue $0x7FFFFFFF  }
0xdd: {  	[tilespmem:s22], [sflag:$0x1] =	stream.indirect_vreg.gather [hbm4b:s2+s13], $0x1, v2, vm0, $0x4038;
	[tilespmem:$0x8400] =	vst v63  }
0xde: {  	v2 =	vadd.s32 $0xF42B00, v0;
	(ifvalue) =	ssetifvalue $0x7FFFFFFF  }
0xdf: {  	s22 =	sadd.s32 $0x2280, s21;
	(ifvalue) =	ssetifvalue $0x7FFFFFFF  }
0xe0: {  	[tilespmem:s22], [sflag:$0x1] =	stream.indirect_vreg.gather [hbm4b:s2+s13], $0x1, v1, vm0, $0x4038;
	[tilespmem:$0x8400] =	vst v63  }
0xe1: {  	v1 =	vadd.s32 $0xF42B80, v0;
	(ifvalue) =	ssetifvalue $0x7FFFFFFF  }
0xe2: {  	s22 =	sadd.s32 $0x2300, s21;
	(ifvalue) =	ssetifvalue $0x7FFFFFFF  }
0xe3: {  	[tilespmem:s22], [sflag:$0x1] =	stream.indirect_vreg.gather [hbm4b:s2+s13], $0x1, v2, vm0, $0x4038;
	[tilespmem:$0x8400] =	vst v63  }
0xe4: {  	v2 =	vadd.s32 $0x16E3C00, v0;
	(ifvalue) =	ssetifvalue $0x7FFFFFFF  }
0xe5: {  	s22 =	sadd.s32 $0x2380, s21;
	(ifvalue) =	ssetifvalue $0x7FFFFFFF  }
0xe6: {  	[tilespmem:s22], [sflag:$0x1] =	stream.indirect_vreg.gather [hbm4b:s2+s13], $0x1, v1, vm0, $0x4038;
	[tilespmem:$0x8400] =	vst v63  }
0xe7: {  	v1 =	vadd.s32 $0x16E3C80, v0;
	(ifvalue) =	ssetifvalue $0x7FFFFFFF  }
0xe8: {  	s22 =	sadd.s32 $0x3000, s21;
	(ifvalue) =	ssetifvalue $0x7FFFFFFF  }
0xe9: {  	[tilespmem:s22], [sflag:$0x1] =	stream.indirect_vreg.gather [hbm4b:s2+s13], $0x1, v2, vm0, $0x4038;
	[tilespmem:$0x8400] =	vst v63  }
0xea: {  	v2 =	vadd.s32 $0x16E3D00, v0;
	(ifvalue) =	ssetifvalue $0x7FFFFFFF  }
0xeb: {  	s22 =	sadd.s32 $0x3080, s21;
	(ifvalue) =	ssetifvalue $0x7FFFFFFF  }
0xec: {  	[tilespmem:s22], [sflag:$0x1] =	stream.indirect_vreg.gather [hbm4b:s2+s13], $0x1, v1, vm0, $0x4038;
	[tilespmem:$0x8400] =	vst v63  }
0xed: {  	v1 =	vadd.s32 $0x16E3D80, v0;
	(ifvalue) =	ssetifvalue $0x7FFFFFFF  }
0xee: {  	s22 =	sadd.s32 $0x3100, s21;
	(ifvalue) =	ssetifvalue $0x7FFFFFFF  }
0xef: {  	[tilespmem:s22], [sflag:$0x1] =	stream.indirect_vreg.gather [hbm4b:s2+s13], $0x1, v2, vm0, $0x4038;
	[tilespmem:$0x8400] =	vst v63  }
0xf0: {  	v2 =	vadd.s32 $0x16E3E00, v0;
	(ifvalue) =	ssetifvalue $0x7FFFFFFF  }
0xf1: {  	s22 =	sadd.s32 $0x3180, s21;
	(ifvalue) =	ssetifvalue $0x7FFFFFFF  }
0xf2: {  	[tilespmem:s22], [sflag:$0x1] =	stream.indirect_vreg.gather [hbm4b:s2+s13], $0x1, v1, vm0, $0x4038;
	[tilespmem:$0x8400] =	vst v63  }
0xf3: {  	v1 =	vadd.s32 $0x16E3E80, v0;
	(ifvalue) =	ssetifvalue $0x7FFFFFFF  }
0xf4: {  	s22 =	sadd.s32 $0x3200, s21;
	(ifvalue) =	ssetifvalue $0x7FFFFFFF  }
0xf5: {  	[tilespmem:s22], [sflag:$0x1] =	stream.indirect_vreg.gather [hbm4b:s2+s13], $0x1, v2, vm0, $0x4038;
	[tilespmem:$0x8400] =	vst v63  }
0xf6: {  	v2 =	vadd.s32 $0x16E3F00, v0;
	(ifvalue) =	ssetifvalue $0x7FFFFFFF  }
0xf7: {  	s22 =	sadd.s32 $0x3280, s21;
	(ifvalue) =	ssetifvalue $0x7FFFFFFF  }
0xf8: {  	[tilespmem:s22], [sflag:$0x1] =	stream.indirect_vreg.gather [hbm4b:s2+s13], $0x1, v1, vm0, $0x4038;
	[tilespmem:$0x8400] =	vst v63  }
.Ltmp3:
0xf9: {  	v0 =	vadd.s32 $0x16E3F80, v0;
	(ifvalue) =	ssetifvalue $0x7FFFFFFF;
	(pc) =	sbr.rel @p1 .LBB2_3-.Ltmp3, $4  }
0xfa: {  	s22 =	sadd.s32 $0x3300, s21;
	(ifvalue) =	ssetifvalue $0x7FFFFFFF  }
0xfb: {  	[tilespmem:s22], [sflag:$0x1] =	stream.indirect_vreg.gather [hbm4b:s2+s13], $0x1, v2, vm0, $0x4038;
	[tilespmem:$0x8400] =	vst v63  }
0xfc: {  	s19 =	sadd.s32 $0x10, s19;
	(ifvalue) =	ssetifvalue $0x7FFFFFFF  }
0xfd: {  	s20 =	sadd.s32 $0x80, s20;
	s21 =	sadd.s32 $0x3380, s21;
	(ifvalue) =	ssetifvalue $0x7FFFFFFF  }
.Ltmp4:
0xfe: {  	_ = 	snop;
	(pc) =	sbr.rel .LBB2_4-.Ltmp4, $1  }
0xff: {  	_ =	sdelay $0x3  }
.LBB2_6:
0x100: {  	_ =	sfence.sel $0x180000  }
0x101: {  	s2 =	simm.s32 $0x2;
	[bflag:$0x0] =	sbarrier.arrive $0xFFFF  }
0x102: {  	s30 =	simm.s32 $0x3;
	[sflag:s2] =	ssyncpa.u1 $0x1  }
0x103: {  	s31 =	simm.s32 $0x1;
	[sflag:s30] =	ssyncpa.u1 $0x1  }
0x104: {  	[sflag:s31] =	ssyncpa.u1 $0x1  }
0x105: {  	p0 =	sne.s32 s1, $0x0;
	_ =	strace $0x90000047  }
0x106: {  	s0 =	sadd.s32 @!p0 $0x100000, s0;
	[bflag:$0x2] =	sbarrier.arrive $0xFFFF  }
0x107: {  	[sflag:s0] =	ssyncadd.tile.s32 @!p0 $0x1;
	_ =	shalt  }
.Lfunc_end2:
_tile_overlayer_lowered:
.L_overlay_start_2:
0x108: {  	(tag) =	ssettag $0x2  }
0x109: {  	s0 =	rddreg [dreg:$0x0];
	s2 =	stileid.u32  }
0x10a: {  	s1 =	rddreg [dreg:$0x1];
	p0 =	sne.s32 s2, $0x0  }
0x10b: {  	s3 =	rddreg [dreg:$0x2];
	[bflag:$0x3] =	sbarrier.arrive $0xFFFF;
	s2 =	simm.s32 @!p0 $0x1C01  }
0x10c: {  	[timem:s3], [sflag:s2] =	dma.local @!p0 [hbm:s0], s1  }
0x10d: {  	s0 =	simm.s32 @!p0 $0x1  }
0x10e: {  	_ =	swait.ge @!p0 [sflag:s0], s1  }
0x10f: {  	s1 =	ssub.s32 @!p0 $0x0, s1;
	[sflag:s0] =	ssyncset.done @!p0 $0x0  }
0x110: {  	[sflag:s0] =	ssyncadd.s32 @!p0 s1  }
0x111: {  	[bflag:$0x3] =	sbarrier.arrive $0xFFFF  }
0x112: {  	_ =	shalt  }

// kernel: kernel.5.cloned.1.call-start
scs
__scs_entry_jumppad:
0x0: {  	(pc) =	sbr.rel $0x88, $3  }
0x1: {  	(tag) =	ssettag $0x0;
	lr =	simm.s32 $0x1  }
0x2: {  	[smem:$0x3F99] =	sst lr;
	_ =	strace $0xD0000000  }
0x3: {  	_ = 	snop  }
0x4: {  	_ = 	snop  }
0x5: {  	_ = 	snop  }
0x6: {  	_ = 	snop  }
0x7: {  	_ = 	snop  }
__scs_overlays_trampoline_lowered:
0x8: {  	[smem:$0x3FA8] =	sst s0  }
0x9: {  	[smem:$0x3FA9] =	sst s1  }
0xa: {  	[smem:$0x3FAA] =	sst s2  }
0xb: {  	[smem:$0x3FAB] =	sst s3  }
0xc: {  	[smem:$0x3FAC] =	sst s4  }
0xd: {  	[smem:$0x3FAD] =	sst s5  }
0xe: {  	[smem:$0x3FAE] =	sst s6  }
0xf: {  	[smem:$0x3FAF] =	sst s7  }
0x10: {  	[smem:$0x3FB0] =	sst s8  }
0x11: {  	[smem:$0x3FB1] =	sst s9;
	s0 =	simm.s32 @!p0 $0x0  }
0x12: {  	s1 =	sld [smem:$0x3F97];
	s0 =	simm.s32 @p0 $0x1  }
0x13: {  	[smem:$0x3FB2] =	sst s0;
	s0 =	simm.s32 @!p1 $0x0  }
0x14: {  	s2 =	sld [smem:$0x3F96];
	s0 =	simm.s32 @p1 $0x1  }
0x15: {  	[smem:$0x3FB3] =	sst s0;
	s0 =	simm.s32 @!p2 $0x0  }
0x16: {  	s3 =	sld [smem:$0x3FDB];
	s0 =	simm.s32 @p2 $0x1  }
0x17: {  	s4 =	simm.s32 $0x1BF5;
	[smem:$0x3FB5] =	sst s0  }
0x18: {  	s0 =	sld [smem:$0x3F98];
	_ =	swait.ge [sflag:s4], $0x0  }
0x19: {  	s7 =	sld [smem:$0x3F99]  }
0x1a: {  	s8 =	sadd.s32 $0xFFFFE003, lr  }
0x1b: {  	s9 =	sadd.s32 $0xFFFFFEF7, lr;
	s5 =	simm.s32 $0xFFFFFFFF;
	p2 =	slt.u32 s8, $0xFFFFF086  }
0x1c: {  	p1 =	slt.u32 s9, $0xF7A;
	s5 =	simm.s32 @!p2 $0x0  }
0x1d: {  	s5 =	simm.s32 @p1 $0x1;
	p0 =	seq.s32 s7, s2  }
0x1e: {  	s7 =	smul.u32 @!p0 $0xF7A, s2;
	p2 =	seq.s32 @!p0 s5, $0x0  }
0x1f: {  	s9 =	smul.u32 $0xF7A, s1;
	s8 =	simm.s32 @!p0 $0x1BF5;
	p2 =	por !p2, p0  }
0x20: {  	[sflag:s8] =	ssyncset.s32 @!p0 $0xFFFFF086;
	s6 =	sadd.s32 @!p0 s3, s7;
	s7 =	simm.s32 @!p0 $0x108  }
0x21: {  	s3 =	sadd.s32 s3, s9;
	s6 =	sadd.s32 @!p0 $0x88, s6;
	s7 =	simm.s32 @p2 $0x1082  }
0x22: {  	[simem:s7], [sflag:s8] =	dma.local @!p0 [hbm:s6], $0xF7A  }
0x23: {  	s9 =	sor.u32 $0xD0000000, s2;
	s6 =	simm.s32 $0x108;
	_ =	swait.ge @!p0 [sflag:s8], $0x0  }
0x24: {  	s3 =	sadd.s32 $0x88, s3;
	s6 =	simm.s32 @!p1 $0x1082;
	[sflag:s4] =	ssyncset.s32 $0xFFFFF086  }
0x25: {  	[simem:s6], [sflag:s4] =	dma.local [hbm:s3], $0xF7A  }
0x26: {  	[smem:$0x3F99] =	sst s1;
	(tag) =	ssettag s2;
	_ =	strace s9  }
0x27: {  	s1 =	sld [smem:$0x3FA9]  }
0x28: {  	s2 =	sld [smem:$0x3FAA]  }
0x29: {  	s4 =	sld [smem:$0x3FAC]  }
0x2a: {  	p0 =	seq.s32 s5, $0x0;
	s5 =	sld [smem:$0x3FAD]  }
0x2b: {  	s6 =	sld [smem:$0x3FAE]  }
0x2c: {  	s7 =	sld [smem:$0x3FAF]  }
0x2d: {  	s3 =	simm.s32 $0x108;
	s8 =	sld [smem:$0x3FB0]  }
0x2e: {  	s3 =	simm.s32 @!p0 $0x1082;
	s9 =	sld [smem:$0x3FB1]  }
0x2f: {  	lr =	sadd.s32 s0, s3;
	s0 =	sld [smem:$0x3FA8]  }
0x30: {  	s3 =	sld [smem:$0x3FAB]  }
0x31: {  	[smem:$0x3FB4] =	sst s10  }
0x32: {  	s10 =	sld [smem:$0x3FB2];
	_ =	sdelay $0x3  }
0x33: {  	p0 =	seq.s32 s10, $0x1;
	s10 =	sld [smem:$0x3FB4];
	_ =	sdelay $0x3  }
0x34: {  	[smem:$0x3FB4] =	sst s10  }
0x35: {  	s10 =	sld [smem:$0x3FB3];
	_ =	sdelay $0x3  }
0x36: {  	p1 =	seq.s32 s10, $0x1;
	s10 =	sld [smem:$0x3FB4];
	_ =	sdelay $0x3  }
0x37: {  	[smem:$0x3FB4] =	sst s10  }
0x38: {  	s10 =	sld [smem:$0x3FB5]  }
0x39: {  	_ = 	snop;
	(pc) =	sbr.ind lr, $3  }
0x3a: {  	_ = 	snop  }
0x3b: {  	_ = 	snop  }
0x3c: {  	p2 =	seq.s32 s10, $0x1;
	s10 =	sld [smem:$0x3FB4]  }
0x3d: {  	_ =	shalt  }
0x3e: {  	_ =	shalt  }
0x3f: {  	_ =	shalt  }
0x40: {  	_ =	shalt  }
0x41: {  	_ =	shalt  }
0x42: {  	_ =	shalt  }
0x43: {  	_ =	shalt  }
0x44: {  	_ =	shalt  }
0x45: {  	_ =	shalt  }
0x46: {  	_ =	shalt  }
0x47: {  	_ =	shalt  }
0x48: {  	_ =	shalt  }
0x49: {  	_ =	shalt  }
0x4a: {  	_ =	shalt  }
0x4b: {  	_ =	shalt  }
0x4c: {  	_ =	shalt  }
0x4d: {  	_ =	shalt  }
0x4e: {  	_ =	shalt  }
0x4f: {  	_ =	shalt  }
0x50: {  	_ =	shalt  }
0x51: {  	_ =	shalt  }
0x52: {  	_ =	shalt  }
0x53: {  	_ =	shalt  }
0x54: {  	_ =	shalt  }
0x55: {  	_ =	shalt  }
0x56: {  	_ =	shalt  }
0x57: {  	_ =	shalt  }
0x58: {  	_ =	shalt  }
0x59: {  	_ =	shalt  }
0x5a: {  	_ =	shalt  }
0x5b: {  	_ =	shalt  }
0x5c: {  	_ =	shalt  }
0x5d: {  	_ =	shalt  }
0x5e: {  	_ =	shalt  }
0x5f: {  	_ =	shalt  }
0x60: {  	_ =	shalt  }
0x61: {  	_ =	shalt  }
0x62: {  	_ =	shalt  }
0x63: {  	_ =	shalt  }
0x64: {  	_ =	shalt  }
0x65: {  	_ =	shalt  }
0x66: {  	_ =	shalt  }
0x67: {  	_ =	shalt  }
0x68: {  	_ =	shalt  }
0x69: {  	_ =	shalt  }
0x6a: {  	_ =	shalt  }
0x6b: {  	_ =	shalt  }
0x6c: {  	_ =	shalt  }
0x6d: {  	_ =	shalt  }
0x6e: {  	_ =	shalt  }
0x6f: {  	_ =	shalt  }
0x70: {  	_ =	shalt  }
0x71: {  	_ =	shalt  }
0x72: {  	_ =	shalt  }
0x73: {  	_ =	shalt  }
0x74: {  	_ =	shalt  }
0x75: {  	_ =	shalt  }
0x76: {  	_ =	shalt  }
0x77: {  	_ =	shalt  }
0x78: {  	_ =	shalt  }
0x79: {  	_ =	shalt  }
0x7a: {  	_ =	shalt  }
0x7b: {  	_ =	shalt  }
0x7c: {  	_ =	shalt  }
0x7d: {  	_ =	shalt  }
0x7e: {  	_ =	shalt  }
0x7f: {  	_ =	shalt  }
0x80: {  	_ =	shalt  }
0x81: {  	_ =	shalt  }
0x82: {  	_ =	shalt  }
0x83: {  	_ =	shalt  }
0x84: {  	_ =	shalt  }
0x85: {  	_ =	shalt  }
0x86: {  	_ =	shalt  }
0x87: {  	_ =	shalt  }
.Lfunc_end0:
.L_simem_size_0:
called_computation.2_lowered:
.L_overlay_start_0:
0x88: {  	s2 =	sld [smem:$0x3FD9]  }
0x89: {  	s3 =	sld [smem:$0x3FFE];
	_ =	sdelay $0x1  }
0x8a: {  	s1 =	srdreg.scid  }
0x8b: {  	s0 =	sand.u32 $0x1, s1  }
0x8c: {  	s17 =	sshll.u32 s0, $0xA;
	s2 =	sadd.s32 s3, s2  }
0x8d: {  	s2 =	sadd.s32 s2, s17  }
0x8e: {  	[smem:$0x3FC0] =	sst s2  }
0x8f: {  	_ = 	snop  }
0x90: {  	s18 =	sld [smem:$0x3FC6]  }
0x91: {  	s4 =	sld [smem:$0x3FC5]  }
0x92: {  	s5 =	sld [smem:$0x3FC4]  }
0x93: {  	s6 =	sld [smem:$0x3FC2];
	(tm) =	ssettm $0x1  }
0x94: {  	s19 =	sld [smem:$0x3FFB];
	_ =	sdelay $0x3  }
0x95: {  	_ =	strace s19  }
0x96: {  	s2 =	sld [smem:$0x3FFC];
	_ =	sdelay $0x3  }
0x97: {  	_ =	strace s2  }
0x98: {  	s2 =	sld [smem:$0x3FFD];
	_ =	sdelay $0x3  }
0x99: {  	_ =	strace s2  }
0x9a: {  	_ =	strace $0x8FFFFFFF  }
0x9b: {  	s20 =	sld [smem:$0x3FDB];
	_ =	sdelay $0x1  }
0x9c: {  	s7 =	simm.s32 $_scs_section_size  }
0x9d: {  	s8 =	simm.s32 $_size__tile_overlayer_lowered;
	s9 =	simm.s32 $_tile_overlayer_lowered  }
0x9e: {  	s10 =	simm.s32 $0x1BFF;
	s21 =	sshll.u32 s9, $0x1;
	s7 =	sadd.s32 s7, s20  }
0x9f: {  	s22 =	simm.s32 $0x0;
	s8 =	sshll.u32 s8, $0x1;
	s9 =	sadd.s32 s21, s7  }
0xa0: {  	[timem:s22], [sflag:s10] =	dma.local [hbm:s9], s8  }
0xa1: {  	_ =	swait.ge [sflag:s10], s8  }
0xa2: {  	s8 =	ssub.s32 $0x0, s8;
	[sflag:s10] =	ssyncset.done $0x0  }
0xa3: {  	[sflag:s10] =	ssyncadd.s32 s8;
	_ =	sdelay $0x1  }
0xa4: {  	s23 =	simm.s32 $0x1B8B  }
0xa5: {  	_ =	swait.ge [sflag:s23], $0x1  }
0xa6: {  	[sflag:s23] =	ssyncset.done $0x0  }
0xa7: {  	[sflag:s23] =	ssyncadd.s32 $0xFFFFFFFF  }
0xa8: {  	s8 =	sld [smem:$0x0]  }
0xa9: {  	s9 =	sand.u32 $0xFFFFFFFE, s1  }
0xaa: {  	p0 =	sne.s32 s1, s9  }
0xab: {  	s9 =	sshll.u32 @p0 s9, $0xE  }
0xac: {  	s9 =	sadd.s32 @p0 $0x11B8D, s9;
	s10 =	sshll.u32 @p0 s8, $0x11  }
0xad: {  	s9 =	sor.u32 @p0 s10, s9  }
0xae: {  	[sflag:s9] =	ssyncadd.remote.s32 @p0 $0x1;
	_ =	sdelay $0x1  }
0xaf: {  	s9 =	simm.s32 @p0 $0x1B8D  }
0xb0: {  	_ =	swait.eq @p0 [sflag:s9], $0x1  }
0xb1: {  	[sflag:s9] =	ssyncadd.s32 @p0 $0xFFFFFFFF  }
0xb2: {  	s10 =	sshll.u32 @!p0 s1, $0xE  }
0xb3: {  	s10 =	sor.u32 @!p0 $0x4000, s10;
	s9 =	simm.s32 @!p0 $0x1B8D  }
0xb4: {  	s8 =	sshll.u32 @!p0 s8, $0x11;
	s10 =	sadd.s32 @!p0 $0x11B8D, s10;
	_ =	swait.eq @!p0 [sflag:s9], $0x1  }
0xb5: {  	s8 =	sor.u32 @!p0 s8, s10;
	[sflag:s9] =	ssyncadd.s32 @!p0 $0xFFFFFFFF  }
0xb6: {  	s25 =	simm.s32 $0x1B8E;
	s24 =	sld [smem:$0x3FFE];
	[sflag:s8] =	ssyncadd.remote.s32 @!p0 $0x1  }
0xb7: {  	s26 =	simm.s32 $execute0_lowered;
	[smem:$0x3FD2] =	sst s25  }
0xb8: {  	s9 =	sshll.u32 s26, $0x1;
	_ =	strace $0x8000004C;
	[dreg:$0x1] =	wrdreg $0xFFFFFFFF  }
0xb9: {  	s28 =	simm.s32 $_size_execute0_lowered;
	s7 =	sadd.s32 s7, s9;
	[dreg:$0x0] =	wrdreg $0x0  }
0xba: {  	s9 =	sshll.u32 s28, $0x1;
	[dreg:$0x2] =	wrdreg s7  }
0xbb: {  	[dreg:$0x3] =	wrdreg s9  }
0xbc: {  	[dreg:$0x4] =	wrdreg $0xC0  }
0xbd: {  	_ =	task [dreg:s22], $0x5FFFF  }
0xbe: {  	[dreg:$0x1] =	wrdreg $0xFFFFFFFF  }
0xbf: {  	[dreg:$0x0] =	wrdreg $0x60  }
0xc0: {  	[dreg:$0x2] =	wrdreg s18  }
0xc1: {  	[dreg:$0x3] =	wrdreg s4  }
0xc2: {  	[dreg:$0x4] =	wrdreg s5  }
0xc3: {  	[dreg:$0x5] =	wrdreg s6  }
0xc4: {  	[dreg:$0x6] =	wrdreg s24  }
0xc5: {  	[dreg:$0x7] =	wrdreg $0xB  }
0xc6: {  	_ =	task.clear_ibuf [dreg:s22], $0x8FFFF;
	_ =	strace $0x9000004C  }
0xc7: {  	s29 =	simm.s32 $0xB;
	_ =	strace $0x8000004E  }
0xc8: {  	_ =	swait.ge [sflag:s29], $0x1  }
0xc9: {  	[sflag:s29] =	ssyncadd.s32 $0xFFFFFFFF  }
0xca: {  	_ =	strace $0x9000004E  }
0xcb: {  	_ =	sfence  }
0xcc: {  	s30 =	sld [smem:$0x0];
	_ =	sdelay $0x2  }
0xcd: {  	s31 =	sshll.u32 s1, $0xD;
	s1 =	sshrl.u32 s1, $0x2  }
0xce: {  	s4 =	sand.u32 $0x4000, s31;
	s1 =	sadd.s32 s1, s30  }
0xcf: {  	s0 =	sor.u32 s4, s0;
	s1 =	sshll.u32 s1, $0x11  }
0xd0: {  	s0 =	sor.u32 s1, s0  }
0xd1: {  	s0 =	sadd.s32 $0x8F2B, s0  }
0xd2: {  	[sflag:s0] =	ssyncadd.remote.s32 $0x1  }
0xd3: {  	_ =	sfence.sel $0xFFFF  }
0xd4: {  	[dreg:$0x0] =	wrdreg $0xFFFFFFFF;
	(pc) =	sbr.abs _section_cstart, $3  }
0xd5: {  	[dreg:$0x1] =	wrdreg $0xFFFFFFFF  }
0xd6: {  	_ =	task.clear_ibuf [dreg:s22], $0x2FFFF;
	_ =	strace $0x9FFFFFFF  }
0xd7: {  	(tm) =	ssettm $0x7FFFFFFF  }
tec
execute0_lowered:
.L_overlay_start_1:
0x0: {  	(tag) =	ssettag $0x1  }
0x1: {  	s1 =	rddreg [dreg:$0x0]  }
0x2: {  	s2 =	rddreg [dreg:$0x1]  }
0x3: {  	s5 =	rddreg [dreg:$0x2]  }
0x4: {  	s7 =	rddreg [dreg:$0x3]  }
0x5: {  	s12 =	rddreg [dreg:$0x4];
	s4 =	srdreg.scid  }
0x6: {  	s0 =	rddreg [dreg:$0x5];
	s3 =	stileid.u32;
	s13 =	sand.u32 $0x1, s4  }
0x7: {  	s4 =	simm.s32 $0x0;
	s6 =	sshll.u32 s3, $0x7;
	s8 =	sshll.u32 s13, $0x6  }
0x8: {  	[smem:$0x7FF] =	sst s4;
	s14 =	sor.u32 s8, s6  }
0x9: {  	_ =	strace $0x8000004D;
	s6 =	sadd.s32 s5, s14;
	s5 =	simm.s32 $0x2  }
0xa: {  	[tilespmem:s4], [sflag:$0x2] =	stream.linear.gather [hbm4b:s6+s4], $0x200, $0x38;
	[tilespmem:$0x800] =	vst v63  }
0xb: {  	_ =	swait.ge [sflag:s5], $0x200  }
0xc: {  	[sflag:s5] =	ssyncset.done $0x0  }
0xd: {  	s8 =	simm.s32 $0x200;
	s7 =	sadd.s32 s7, s14;
	[sflag:s5] =	ssyncadd.s32 $0xFFFFFE00  }
0xe: {  	[tilespmem:s8], [sflag:$0x2] =	stream.linear.gather [hbm4b:s7+s4], $0x200, $0x38;
	[tilespmem:$0x800] =	vst v63  }
0xf: {  	_ =	swait.ge [sflag:s5], $0x200  }
0x10: {  	[sflag:s5] =	ssyncset.done $0x0  }
0x11: {  	s9 =	simm.s32 $0x400;
	[sflag:s5] =	ssyncadd.s32 $0xFFFFFE00  }
0x12: {  	[tilespmem:s9], [sflag:$0x1] =	stream.indirect.gather [hbm4b:s1+s8], $0x1, s4, s8, $0xb8;
	[tilespmem:$0x800] =	vst v63  }
0x13: {  	s10 =	simm.s32 $0x600;
	s11 =	simm.s32 $0x1  }
0x14: {  	[tilespmem:s10], [sflag:$0x1] =	stream.indirect.gather [hbm4b:s2+s8], $0x1, s8, s8, $0xb8;
	[tilespmem:$0x800] =	vst v63  }
0x15: {  	_ =	swait.ge [sflag:s11], $0x200  }
0x16: {  	[sflag:s11] =	ssyncset.done $0x0  }
0x17: {  	s13 =	ssub.s32 $0x2, s13;
	[sflag:s11] =	ssyncadd.s32 $0xFFFFFE00  }
0x18: {  	s15 =	sshrl.u32 s13, $0x1;
	_ =	swait.ge [sflag:s11], $0x200  }
0x19: {  	s14 =	sadd.s32 s14, s12;
	s15 =	ssub.s32 s13, s15;
	[sflag:s11] =	ssyncset.done $0x0  }
0x1a: {  	s12 =	sadd.s32 $0x22400, s14;
	s31 =	smax.u32 s15, $0x1;
	[sflag:s11] =	ssyncadd.s32 $0xFFFFFE00  }
0x1b: {  	[hbm4b:s12+s4] =	stream.linear.scatter [tilespmem:s9], [sflag:$0x2], $0x200, $0x38;
	[tilespmem:$0x800] =	vst v63  }
0x1c: {  	p0 =	sne.s32 s31, $0x1;
	_ =	swait.ge [sflag:s5], $0x200  }
.Ltmp0:
0x1d: {  	[sflag:s5] =	ssyncset.done $0x0;
	(pc) =	sbr.rel @!p0 .LBB2_2-.Ltmp0, $4  }
0x1e: {  	s13 =	sadd.s32 $0x22C00, s14;
	[sflag:s5] =	ssyncadd.s32 $0xFFFFFE00  }
0x1f: {  	[hbm4b:s13+s4] =	stream.linear.scatter [tilespmem:s10], [sflag:$0x2], $0x200, $0x38;
	[tilespmem:$0x800] =	vst v63  }
0x20: {  	_ =	swait.ge [sflag:s5], $0x200  }
0x21: {  	s14 =	sadd.s32 $0xFFFFFFFF, s31;
	[sflag:s5] =	ssyncset.done $0x0  }
.LBB2_1:
0x22: {  	p0 =	sne.s32 s14, $0x1;
	s14 =	sadd.s32 $0xFFFFFFFF, s14;
	[sflag:s5] =	ssyncadd.s32 $0xFFFFFE00  }
0x23: {  	[tilespmem:s4], [sflag:$0x2] =	stream.linear.gather [hbm4b:s6+s4], $0x200, $0x38;
	[tilespmem:$0x800] =	vst v63  }
0x24: {  	_ =	swait.ge [sflag:s5], $0x200  }
0x25: {  	[sflag:s5] =	ssyncset.done $0x0  }
0x26: {  	[sflag:s5] =	ssyncadd.s32 $0xFFFFFE00  }
0x27: {  	[tilespmem:s8], [sflag:$0x2] =	stream.linear.gather [hbm4b:s7+s4], $0x200, $0x38;
	[tilespmem:$0x800] =	vst v63  }
0x28: {  	_ =	swait.ge [sflag:s5], $0x200  }
0x29: {  	[sflag:s5] =	ssyncset.done $0x0  }
0x2a: {  	[sflag:s5] =	ssyncadd.s32 $0xFFFFFE00  }
0x2b: {  	[tilespmem:s9], [sflag:$0x1] =	stream.indirect.gather [hbm4b:s1+s8], $0x1, s4, s8, $0xb8;
	[tilespmem:$0x800] =	vst v63  }
0x2c: {  	_ = 	snop  }
0x2d: {  	[tilespmem:s10], [sflag:$0x1] =	stream.indirect.gather [hbm4b:s2+s8], $0x1, s8, s8, $0xb8;
	[tilespmem:$0x800] =	vst v63  }
0x2e: {  	_ =	swait.ge [sflag:s11], $0x200  }
0x2f: {  	[sflag:s11] =	ssyncset.done $0x0  }
0x30: {  	[sflag:s11] =	ssyncadd.s32 $0xFFFFFE00  }
0x31: {  	_ =	swait.ge [sflag:s11], $0x200  }
0x32: {  	[sflag:s11] =	ssyncset.done $0x0  }
0x33: {  	[sflag:s11] =	ssyncadd.s32 $0xFFFFFE00  }
0x34: {  	[hbm4b:s12+s4] =	stream.linear.scatter [tilespmem:s9], [sflag:$0x2], $0x200, $0x38;
	[tilespmem:$0x800] =	vst v63  }
0x35: {  	_ =	swait.ge [sflag:s5], $0x200  }
.Ltmp1:
0x36: {  	[sflag:s5] =	ssyncset.done $0x0;
	(pc) =	sbr.rel @p0 .LBB2_1-.Ltmp1, $4  }
0x37: {  	[sflag:s5] =	ssyncadd.s32 $0xFFFFFE00  }
0x38: {  	[hbm4b:s13+s4] =	stream.linear.scatter [tilespmem:s10], [sflag:$0x2], $0x200, $0x38;
	[tilespmem:$0x800] =	vst v63  }
0x39: {  	_ =	swait.ge [sflag:s5], $0x200  }
0x3a: {  	[sflag:s5] =	ssyncset.done $0x0  }
.LBB2_2:
0x3b: {  	[sflag:s5] =	ssyncadd.s32 $0xFFFFFE00  }
0x3c: {  	_ =	sfence.sel $0x180000  }
0x3d: {  	[bflag:$0x0] =	sbarrier.arrive $0xFFFF  }
0x3e: {  	p0 =	sne.s32 s3, $0x0;
	_ =	strace $0x9000004D  }
0x3f: {  	s0 =	sadd.s32 @!p0 $0x100000, s0;
	[bflag:$0x2] =	sbarrier.arrive $0xFFFF  }
0x40: {  	[sflag:s0] =	ssyncadd.tile.s32 @!p0 $0x1;
	_ =	shalt  }
.Lfunc_end2:
_tile_overlayer_lowered:
.L_overlay_start_2:
0x41: {  	(tag) =	ssettag $0x2  }
0x42: {  	s0 =	rddreg [dreg:$0x0];
	s2 =	stileid.u32  }
0x43: {  	s1 =	rddreg [dreg:$0x1];
	p0 =	sne.s32 s2, $0x0  }
0x44: {  	s3 =	rddreg [dreg:$0x2];
	[bflag:$0x3] =	sbarrier.arrive $0xFFFF;
	s2 =	simm.s32 @!p0 $0x1C02  }
0x45: {  	[timem:s3], [sflag:s2] =	dma.local @!p0 [hbm:s0], s1  }
0x46: {  	s0 =	simm.s32 @!p0 $0x2  }
0x47: {  	_ =	swait.ge @!p0 [sflag:s0], s1  }
0x48: {  	s1 =	ssub.s32 @!p0 $0x0, s1;
	[sflag:s0] =	ssyncset.done @!p0 $0x0  }
0x49: {  	[sflag:s0] =	ssyncadd.s32 @!p0 s1  }
0x4a: {  	[bflag:$0x3] =	sbarrier.arrive $0xFFFF  }
0x4b: {  	_ =	shalt  }

</sc_bundles>
